<compile_context>
chip_gen: v7x
topology: tpu7x:2x2x1
jax: 0.10.2.dev20260603
libtpu: 0.0.44.dev20260713+nightly
codegen_flags: <defaults>
</compile_context>

<pallas_src>
import functools

import jax
import jax.numpy as jnp
from jax import lax
from jax.experimental import pallas as pl
from jax.experimental.pallas import tpu as pltpu
from jax.experimental.pallas import tpu_sc as plsc

B = 128
V = 100000
L = 16
NJ = B // L
NC, NS = 2, 16
NW = NC * NS

VS_TC = 50000
VS_SC = V - VS_TC

CR = 400
NCHUNK = VS_SC // CR
FULL_ITERS = NCHUNK // NW
EXTRA = NCHUNK - FULL_ITERS * NW

VB = 10000


def _chunk_expsum(buf, accs):
    @plsc.parallel_loop(0, CR, step=1, unroll=4, carry=tuple(accs))
    def body(v, acc):
        return tuple(acc[j] + jnp.exp(buf[v, pl.ds(j * L, L)])
                     for j in range(NJ))

    return list(body)


_mesh = plsc.VectorSubcoreMesh(core_axis_name="c", subcore_axis_name="s")


@functools.partial(
    pl.kernel,
    mesh=_mesh,
    out_type=jax.ShapeDtypeStruct((NW, B), jnp.float32),
    scratch_types=[pltpu.VMEM((CR, B), jnp.float32),
                   pltpu.VMEM((CR, B), jnp.float32),
                   pltpu.VMEM((B,), jnp.float32),
                   pltpu.SemaphoreType.DMA,
                   pltpu.SemaphoreType.DMA],
)
def _partials_sc(xt_hbm, part_hbm, buf0, buf1, stage_v, sem0, sem1):
    wid = lax.axis_index("s") * NC + lax.axis_index("c")
    bufs, sems = (buf0, buf1), (sem0, sem1)

    def issue_load(i):
        row = VS_TC + (wid + i * NW) * CR
        return pltpu.async_copy(xt_hbm.at[pl.ds(row, CR)],
                                bufs[i % 2], sems[i % 2])

    accs = [jnp.zeros((L,), jnp.float32) for _ in range(NJ)]
    loads = [issue_load(0)]
    for i in range(FULL_ITERS):
        loads[i].wait()
        if i + 1 < FULL_ITERS:
            loads.append(issue_load(i + 1))
        elif EXTRA:
            @pl.when(wid < EXTRA)
            def _():
                issue_load(FULL_ITERS)
        accs = _chunk_expsum(bufs[i % 2], accs)

    if EXTRA:
        @pl.when(wid < EXTRA)
        def _():
            i = FULL_ITERS
            pltpu.make_async_copy(
                xt_hbm.at[pl.ds(VS_TC + (wid + i * NW) * CR, CR)],
                bufs[i % 2], sems[i % 2]).wait()
            final = _chunk_expsum(bufs[i % 2], accs)
            for j in range(NJ):
                stage_v[pl.ds(j * L, L)] = final[j]

        @pl.when(wid >= EXTRA)
        def _():
            for j in range(NJ):
                stage_v[pl.ds(j * L, L)] = accs[j]
    else:
        for j in range(NJ):
            stage_v[pl.ds(j * L, L)] = accs[j]

    pltpu.sync_copy(stage_v, part_hbm.at[wid])


@functools.partial(
    pl.pallas_call,
    grid=(VS_TC // VB,),
    in_specs=[pl.BlockSpec((VB, B), lambda j: (j, 0))],
    out_specs=pl.BlockSpec((8, B), lambda j: (0, 0)),
    out_shape=jax.ShapeDtypeStruct((8, B), jnp.float32),
    compiler_params=pltpu.CompilerParams(
        dimension_semantics=("arbitrary",)),
)
def _tc_partials(x_ref, acc_ref):
    @pl.when(pl.program_id(0) == 0)
    def _():
        acc_ref[...] = jnp.zeros_like(acc_ref)

    e = jnp.exp(x_ref[...])
    acc_ref[...] += jnp.sum(e.reshape(VB // 8, 8, B), axis=0)


@functools.partial(
    pl.pallas_call,
    grid=(V // VB,),
    in_specs=[pl.BlockSpec((VB, B), lambda j: (j, 0)),
              pl.BlockSpec((8, B), lambda j: (0, 0)),
              pl.BlockSpec((NW, B), lambda j: (0, 0))],
    out_specs=pl.BlockSpec((VB, B), lambda j: (j, 0)),
    out_shape=jax.ShapeDtypeStruct((V, B), jnp.float32),
    scratch_shapes=[pltpu.VMEM((8, B), jnp.float32)],
    compiler_params=pltpu.CompilerParams(
        dimension_semantics=("arbitrary",)),
)
def _tc_normalize(x_ref, ptc_ref, psc_ref, o_ref, lse_ref):
    @pl.when(pl.program_id(0) == 0)
    def _():
        s = (jnp.sum(ptc_ref[...], axis=0, keepdims=True)
             + jnp.sum(psc_ref[...], axis=0, keepdims=True))
        lse_ref[...] = jnp.broadcast_to(jnp.log(s), (8, B))

    o_ref[...] = x_ref[...] - lse_ref[0:1, :]


def kernel(logits):
    xt = logits.T
    psc = _partials_sc(xt)
    ptc = _tc_partials(xt)
    out_t = _tc_normalize(xt, ptc, psc)
    return out_t.T

# --- scband reference (transcript-rebuilt; emitter-appended) ---
"""Pipeline reference for scband-softmax-categorical-head-7533372637258 (READ-ONLY COPY).

The authoritative reference and input builder live on the scoring server;
editing this copy changes nothing except your own understanding.
"""

import jax, jax.numpy as jnp
import numpy as np


def setup_inputs(seed: int = 0) -> dict:
    key = jax.random.key(seed)
    logits = jax.random.normal(key, (128, 100000), dtype=jnp.float32)
    return {"logits": logits}


def reference(logits):
    # torch.distributions.Categorical(logits=logits) canonically normalizes logits:
    #   logits_normalized = logits - logsumexp(logits, axis=-1, keepdims=True)
    # which is exactly log_softmax. We return the normalized log-probs, the core
    # computation the distribution object materializes.
    log_probs = logits - jax.scipy.special.logsumexp(logits, axis=-1, keepdims=True)
    return log_probs

if __name__ == "__main__":
    import jax
    _d = setup_inputs()
    print(jax.jit(kernel)(*tuple(_d.values())))

</pallas_src>

<mosaic_0001>
#map = affine_map<(d0, d1) -> (0, 0)>
module attributes {stable_mosaic.version = 14 : i64} {
  func.func @_partials_sc(%arg0: i32, %arg1: i32, %arg2: memref<100000x128xf32, #tpu.memory_space<hbm>>, %arg3: memref<32x128xf32, #tpu.memory_space<hbm>>, %arg4: memref<400x128xf32, #tpu.memory_space<vmem>>, %arg5: memref<400x128xf32, #tpu.memory_space<vmem>>, %arg6: memref<128xf32, #tpu.memory_space<vmem>>, %arg7: memref<!tpu.dma_semaphore, #tpu.memory_space<semaphore_mem>>, %arg8: memref<!tpu.dma_semaphore, #tpu.memory_space<semaphore_mem>>) attributes {dimension_semantics = [#tpu.dimension_semantics<core_parallel>, #tpu.dimension_semantics<subcore_parallel>], iteration_bounds = array<i64: 2, 16>, scalar_prefetch = 0 : i64, scratch_operands = 5 : i64, tpu.core_type = #tpu.core_type<sc_vector_subcore>, window_params = [{transform_indices = #map}, {transform_indices = #map}]} {
    %mul3A = arith.constant 2 : i32
    %mul3A_0 = arith.muli %arg1, %mul3A : i32
    %add3A = arith.addi %mul3A_0, %arg0 : i32
    %broadcast_in_dim3A = arith.constant 0.000000e+00 : f32
    %broadcast_in_dim3A_1 = vector.broadcast %broadcast_in_dim3A : f32 to vector<16xf32>
    %broadcast_in_dim3A_2 = arith.constant 0.000000e+00 : f32
    %broadcast_in_dim3A_3 = vector.broadcast %broadcast_in_dim3A_2 : f32 to vector<16xf32>
    %broadcast_in_dim3A_4 = arith.constant 0.000000e+00 : f32
    %broadcast_in_dim3A_5 = vector.broadcast %broadcast_in_dim3A_4 : f32 to vector<16xf32>
    %broadcast_in_dim3A_6 = arith.constant 0.000000e+00 : f32
    %broadcast_in_dim3A_7 = vector.broadcast %broadcast_in_dim3A_6 : f32 to vector<16xf32>
    %broadcast_in_dim3A_8 = arith.constant 0.000000e+00 : f32
    %broadcast_in_dim3A_9 = vector.broadcast %broadcast_in_dim3A_8 : f32 to vector<16xf32>
    %broadcast_in_dim3A_10 = arith.constant 0.000000e+00 : f32
    %broadcast_in_dim3A_11 = vector.broadcast %broadcast_in_dim3A_10 : f32 to vector<16xf32>
    %broadcast_in_dim3A_12 = arith.constant 0.000000e+00 : f32
    %broadcast_in_dim3A_13 = vector.broadcast %broadcast_in_dim3A_12 : f32 to vector<16xf32>
    %broadcast_in_dim3A_14 = arith.constant 0.000000e+00 : f32
    %broadcast_in_dim3A_15 = vector.broadcast %broadcast_in_dim3A_14 : f32 to vector<16xf32>
    %add3A_16 = arith.constant 0 : i32
    %add3A_17 = arith.addi %add3A, %add3A_16 : i32
    %mul3A_18 = arith.constant 400 : i32
    %mul3A_19 = arith.muli %add3A_17, %mul3A_18 : i32
    %add3A_20 = arith.constant 50000 : i32
    %add3A_21 = arith.addi %add3A_20, %mul3A_19 : i32
    %dma_start3A = arith.constant 0 : i32
    %dma_start3A_22 = tpu.memref_slice %arg2[%add3A_21, %dma_start3A] : memref<100000x128xf32, #tpu.memory_space<hbm>> -> memref<400x128xf32, #tpu.memory_space<hbm>>
    %dma_start3A_23 = arith.constant 0 : i32
    %dma_start3A_24 = tpu.memref_slice %arg2[%add3A_21, %dma_start3A_23] : memref<100000x128xf32, #tpu.memory_space<hbm>> -> memref<400x128xf32, #tpu.memory_space<hbm>>
    tpu.enqueue_dma source(%dma_start3A_24 : memref<400x128xf32, #tpu.memory_space<hbm>>) target(%arg4 : memref<400x128xf32, #tpu.memory_space<vmem>>) target_semaphore(%arg7 : memref<!tpu.dma_semaphore, #tpu.memory_space<semaphore_mem>>)
    %dma_wait3A = arith.constant 0 : i32
    %dma_wait3A_25 = tpu.memref_slice %arg2[%add3A_21, %dma_wait3A] : memref<100000x128xf32, #tpu.memory_space<hbm>> -> memref<400x128xf32, #tpu.memory_space<hbm>>
    %dma_wait3A_26 = arith.constant 0 : i32
    %dma_wait3A_27 = tpu.memref_slice %arg2[%add3A_21, %dma_wait3A_26] : memref<100000x128xf32, #tpu.memory_space<hbm>> -> memref<400x128xf32, #tpu.memory_space<hbm>>
    tpu.wait_dma2 semaphore(%arg7 : memref<!tpu.dma_semaphore, #tpu.memory_space<semaphore_mem>>) src(%dma_wait3A_27 : memref<400x128xf32, #tpu.memory_space<hbm>>) dst(%arg4 : memref<400x128xf32, #tpu.memory_space<vmem>>)
    %add3A_28 = arith.constant 32 : i32
    %add3A_29 = arith.addi %add3A, %add3A_28 : i32
    %mul3A_30 = arith.constant 400 : i32
    %mul3A_31 = arith.muli %add3A_29, %mul3A_30 : i32
    %add3A_32 = arith.constant 50000 : i32
    %add3A_33 = arith.addi %add3A_32, %mul3A_31 : i32
    %dma_start3A_34 = arith.constant 0 : i32
    %dma_start3A_35 = tpu.memref_slice %arg2[%add3A_33, %dma_start3A_34] : memref<100000x128xf32, #tpu.memory_space<hbm>> -> memref<400x128xf32, #tpu.memory_space<hbm>>
    %dma_start3A_36 = arith.constant 0 : i32
    %dma_start3A_37 = tpu.memref_slice %arg2[%add3A_33, %dma_start3A_36] : memref<100000x128xf32, #tpu.memory_space<hbm>> -> memref<400x128xf32, #tpu.memory_space<hbm>>
    tpu.enqueue_dma source(%dma_start3A_37 : memref<400x128xf32, #tpu.memory_space<hbm>>) target(%arg5 : memref<400x128xf32, #tpu.memory_space<vmem>>) target_semaphore(%arg8 : memref<!tpu.dma_semaphore, #tpu.memory_space<semaphore_mem>>)
    %parallel_loop3A = arith.constant 0 : i32
    %parallel_loop3A_38 = arith.constant 400 : i32
    %parallel_loop3A_39 = arith.constant 1 : i32
    %parallel_loop3A_40:8 = scf.for %parallel_loop3A_78 = %parallel_loop3A to %parallel_loop3A_38 step %parallel_loop3A_39 iter_args(%parallel_loop3A_79 = %broadcast_in_dim3A_1, %parallel_loop3A_80 = %broadcast_in_dim3A_3, %parallel_loop3A_81 = %broadcast_in_dim3A_5, %parallel_loop3A_82 = %broadcast_in_dim3A_7, %parallel_loop3A_83 = %broadcast_in_dim3A_9, %parallel_loop3A_84 = %broadcast_in_dim3A_11, %parallel_loop3A_85 = %broadcast_in_dim3A_13, %parallel_loop3A_86 = %broadcast_in_dim3A_15) -> (vector<16xf32>, vector<16xf32>, vector<16xf32>, vector<16xf32>, vector<16xf32>, vector<16xf32>, vector<16xf32>, vector<16xf32>)  : i32 {
      %parallel_loop3A_87 = arith.index_cast %parallel_loop3A_78 : i32 to index
      %parallel_loop3A_88 = arith.constant 0 : index
      %parallel_loop3A_89 = tpu.vector_load %arg4[%parallel_loop3A_87, %parallel_loop3A_88] {strides = array<i32>} : memref<400x128xf32, #tpu.memory_space<vmem>>, vector<1x16xf32>,
      %parallel_loop3A_90 = vector.shape_cast %parallel_loop3A_89 : vector<1x16xf32> to vector<16xf32>
      %parallel_loop3A_91 = math.exp %parallel_loop3A_90 : vector<16xf32>
      %parallel_loop3A_92 = arith.addf %parallel_loop3A_79, %parallel_loop3A_91 : vector<16xf32>
      %parallel_loop3A_93 = arith.index_cast %parallel_loop3A_78 : i32 to index
      %parallel_loop3A_94 = arith.constant 16 : index
      %parallel_loop3A_95 = tpu.vector_load %arg4[%parallel_loop3A_93, %parallel_loop3A_94] {strides = array<i32>} : memref<400x128xf32, #tpu.memory_space<vmem>>, vector<1x16xf32>,
      %parallel_loop3A_96 = vector.shape_cast %parallel_loop3A_95 : vector<1x16xf32> to vector<16xf32>
      %parallel_loop3A_97 = math.exp %parallel_loop3A_96 : vector<16xf32>
      %parallel_loop3A_98 = arith.addf %parallel_loop3A_80, %parallel_loop3A_97 : vector<16xf32>
      %parallel_loop3A_99 = arith.index_cast %parallel_loop3A_78 : i32 to index
      %parallel_loop3A_100 = arith.constant 32 : index
      %parallel_loop3A_101 = tpu.vector_load %arg4[%parallel_loop3A_99, %parallel_loop3A_100] {strides = array<i32>} : memref<400x128xf32, #tpu.memory_space<vmem>>, vector<1x16xf32>,
      %parallel_loop3A_102 = vector.shape_cast %parallel_loop3A_101 : vector<1x16xf32> to vector<16xf32>
      %parallel_loop3A_103 = math.exp %parallel_loop3A_102 : vector<16xf32>
      %parallel_loop3A_104 = arith.addf %parallel_loop3A_81, %parallel_loop3A_103 : vector<16xf32>
      %parallel_loop3A_105 = arith.index_cast %parallel_loop3A_78 : i32 to index
      %parallel_loop3A_106 = arith.constant 48 : index
      %parallel_loop3A_107 = tpu.vector_load %arg4[%parallel_loop3A_105, %parallel_loop3A_106] {strides = array<i32>} : memref<400x128xf32, #tpu.memory_space<vmem>>, vector<1x16xf32>,
      %parallel_loop3A_108 = vector.shape_cast %parallel_loop3A_107 : vector<1x16xf32> to vector<16xf32>
      %parallel_loop3A_109 = math.exp %parallel_loop3A_108 : vector<16xf32>
      %parallel_loop3A_110 = arith.addf %parallel_loop3A_82, %parallel_loop3A_109 : vector<16xf32>
      %parallel_loop3A_111 = arith.index_cast %parallel_loop3A_78 : i32 to index
      %parallel_loop3A_112 = arith.constant 64 : index
      %parallel_loop3A_113 = tpu.vector_load %arg4[%parallel_loop3A_111, %parallel_loop3A_112] {strides = array<i32>} : memref<400x128xf32, #tpu.memory_space<vmem>>, vector<1x16xf32>,
      %parallel_loop3A_114 = vector.shape_cast %parallel_loop3A_113 : vector<1x16xf32> to vector<16xf32>
      %parallel_loop3A_115 = math.exp %parallel_loop3A_114 : vector<16xf32>
      %parallel_loop3A_116 = arith.addf %parallel_loop3A_83, %parallel_loop3A_115 : vector<16xf32>
      %parallel_loop3A_117 = arith.index_cast %parallel_loop3A_78 : i32 to index
      %parallel_loop3A_118 = arith.constant 80 : index
      %parallel_loop3A_119 = tpu.vector_load %arg4[%parallel_loop3A_117, %parallel_loop3A_118] {strides = array<i32>} : memref<400x128xf32, #tpu.memory_space<vmem>>, vector<1x16xf32>,
      %parallel_loop3A_120 = vector.shape_cast %parallel_loop3A_119 : vector<1x16xf32> to vector<16xf32>
      %parallel_loop3A_121 = math.exp %parallel_loop3A_120 : vector<16xf32>
      %parallel_loop3A_122 = arith.addf %parallel_loop3A_84, %parallel_loop3A_121 : vector<16xf32>
      %parallel_loop3A_123 = arith.index_cast %parallel_loop3A_78 : i32 to index
      %parallel_loop3A_124 = arith.constant 96 : index
      %parallel_loop3A_125 = tpu.vector_load %arg4[%parallel_loop3A_123, %parallel_loop3A_124] {strides = array<i32>} : memref<400x128xf32, #tpu.memory_space<vmem>>, vector<1x16xf32>,
      %parallel_loop3A_126 = vector.shape_cast %parallel_loop3A_125 : vector<1x16xf32> to vector<16xf32>
      %parallel_loop3A_127 = math.exp %parallel_loop3A_126 : vector<16xf32>
      %parallel_loop3A_128 = arith.addf %parallel_loop3A_85, %parallel_loop3A_127 : vector<16xf32>
      %parallel_loop3A_129 = arith.index_cast %parallel_loop3A_78 : i32 to index
      %parallel_loop3A_130 = arith.constant 112 : index
      %parallel_loop3A_131 = tpu.vector_load %arg4[%parallel_loop3A_129, %parallel_loop3A_130] {strides = array<i32>} : memref<400x128xf32, #tpu.memory_space<vmem>>, vector<1x16xf32>,
      %parallel_loop3A_132 = vector.shape_cast %parallel_loop3A_131 : vector<1x16xf32> to vector<16xf32>
      %parallel_loop3A_133 = math.exp %parallel_loop3A_132 : vector<16xf32>
      %parallel_loop3A_134 = arith.addf %parallel_loop3A_86, %parallel_loop3A_133 : vector<16xf32>
      scf.yield %parallel_loop3A_92, %parallel_loop3A_98, %parallel_loop3A_104, %parallel_loop3A_110, %parallel_loop3A_116, %parallel_loop3A_122, %parallel_loop3A_128, %parallel_loop3A_134 : vector<16xf32>, vector<16xf32>, vector<16xf32>, vector<16xf32>, vector<16xf32>, vector<16xf32>, vector<16xf32>, vector<16xf32>
    } {sc.loop_unroll_factor = 4 : i64, sc.parallel_access}
    %dma_wait3A_41 = arith.constant 0 : i32
    %dma_wait3A_42 = tpu.memref_slice %arg2[%add3A_33, %dma_wait3A_41] : memref<100000x128xf32, #tpu.memory_space<hbm>> -> memref<400x128xf32, #tpu.memory_space<hbm>>
    %dma_wait3A_43 = arith.constant 0 : i32
    %dma_wait3A_44 = tpu.memref_slice %arg2[%add3A_33, %dma_wait3A_43] : memref<100000x128xf32, #tpu.memory_space<hbm>> -> memref<400x128xf32, #tpu.memory_space<hbm>>
    tpu.wait_dma2 semaphore(%arg8 : memref<!tpu.dma_semaphore, #tpu.memory_space<semaphore_mem>>) src(%dma_wait3A_44 : memref<400x128xf32, #tpu.memory_space<hbm>>) dst(%arg5 : memref<400x128xf32, #tpu.memory_space<vmem>>)
    %add3A_45 = arith.constant 64 : i32
    %add3A_46 = arith.addi %add3A, %add3A_45 : i32
    %mul3A_47 = arith.constant 400 : i32
    %mul3A_48 = arith.muli %add3A_46, %mul3A_47 : i32
    %add3A_49 = arith.constant 50000 : i32
    %add3A_50 = arith.addi %add3A_49, %mul3A_48 : i32
    %dma_start3A_51 = arith.constant 0 : i32
    %dma_start3A_52 = tpu.memref_slice %arg2[%add3A_50, %dma_start3A_51] : memref<100000x128xf32, #tpu.memory_space<hbm>> -> memref<400x128xf32, #tpu.memory_space<hbm>>
    %dma_start3A_53 = arith.constant 0 : i32
    %dma_start3A_54 = tpu.memref_slice %arg2[%add3A_50, %dma_start3A_53] : memref<100000x128xf32, #tpu.memory_space<hbm>> -> memref<400x128xf32, #tpu.memory_space<hbm>>
    tpu.enqueue_dma source(%dma_start3A_54 : memref<400x128xf32, #tpu.memory_space<hbm>>) target(%arg4 : memref<400x128xf32, #tpu.memory_space<vmem>>) target_semaphore(%arg7 : memref<!tpu.dma_semaphore, #tpu.memory_space<semaphore_mem>>)
    %parallel_loop3A_55 = arith.constant 0 : i32
    %parallel_loop3A_56 = arith.constant 400 : i32
    %parallel_loop3A_57 = arith.constant 1 : i32
    %parallel_loop3A_58:8 = scf.for %parallel_loop3A_78 = %parallel_loop3A_55 to %parallel_loop3A_56 step %parallel_loop3A_57 iter_args(%parallel_loop3A_79 = %parallel_loop3A_40#0, %parallel_loop3A_80 = %parallel_loop3A_40#1, %parallel_loop3A_81 = %parallel_loop3A_40#2, %parallel_loop3A_82 = %parallel_loop3A_40#3, %parallel_loop3A_83 = %parallel_loop3A_40#4, %parallel_loop3A_84 = %parallel_loop3A_40#5, %parallel_loop3A_85 = %parallel_loop3A_40#6, %parallel_loop3A_86 = %parallel_loop3A_40#7) -> (vector<16xf32>, vector<16xf32>, vector<16xf32>, vector<16xf32>, vector<16xf32>, vector<16xf32>, vector<16xf32>, vector<16xf32>)  : i32 {
      %parallel_loop3A_87 = arith.index_cast %parallel_loop3A_78 : i32 to index
      %parallel_loop3A_88 = arith.constant 0 : index
      %parallel_loop3A_89 = tpu.vector_load %arg5[%parallel_loop3A_87, %parallel_loop3A_88] {strides = array<i32>} : memref<400x128xf32, #tpu.memory_space<vmem>>, vector<1x16xf32>,
      %parallel_loop3A_90 = vector.shape_cast %parallel_loop3A_89 : vector<1x16xf32> to vector<16xf32>
      %parallel_loop3A_91 = math.exp %parallel_loop3A_90 : vector<16xf32>
      %parallel_loop3A_92 = arith.addf %parallel_loop3A_79, %parallel_loop3A_91 : vector<16xf32>
      %parallel_loop3A_93 = arith.index_cast %parallel_loop3A_78 : i32 to index
      %parallel_loop3A_94 = arith.constant 16 : index
      %parallel_loop3A_95 = tpu.vector_load %arg5[%parallel_loop3A_93, %parallel_loop3A_94] {strides = array<i32>} : memref<400x128xf32, #tpu.memory_space<vmem>>, vector<1x16xf32>,
      %parallel_loop3A_96 = vector.shape_cast %parallel_loop3A_95 : vector<1x16xf32> to vector<16xf32>
      %parallel_loop3A_97 = math.exp %parallel_loop3A_96 : vector<16xf32>
      %parallel_loop3A_98 = arith.addf %parallel_loop3A_80, %parallel_loop3A_97 : vector<16xf32>
      %parallel_loop3A_99 = arith.index_cast %parallel_loop3A_78 : i32 to index
      %parallel_loop3A_100 = arith.constant 32 : index
      %parallel_loop3A_101 = tpu.vector_load %arg5[%parallel_loop3A_99, %parallel_loop3A_100] {strides = array<i32>} : memref<400x128xf32, #tpu.memory_space<vmem>>, vector<1x16xf32>,
      %parallel_loop3A_102 = vector.shape_cast %parallel_loop3A_101 : vector<1x16xf32> to vector<16xf32>
      %parallel_loop3A_103 = math.exp %parallel_loop3A_102 : vector<16xf32>
      %parallel_loop3A_104 = arith.addf %parallel_loop3A_81, %parallel_loop3A_103 : vector<16xf32>
      %parallel_loop3A_105 = arith.index_cast %parallel_loop3A_78 : i32 to index
      %parallel_loop3A_106 = arith.constant 48 : index
      %parallel_loop3A_107 = tpu.vector_load %arg5[%parallel_loop3A_105, %parallel_loop3A_106] {strides = array<i32>} : memref<400x128xf32, #tpu.memory_space<vmem>>, vector<1x16xf32>,
      %parallel_loop3A_108 = vector.shape_cast %parallel_loop3A_107 : vector<1x16xf32> to vector<16xf32>
      %parallel_loop3A_109 = math.exp %parallel_loop3A_108 : vector<16xf32>
      %parallel_loop3A_110 = arith.addf %parallel_loop3A_82, %parallel_loop3A_109 : vector<16xf32>
      %parallel_loop3A_111 = arith.index_cast %parallel_loop3A_78 : i32 to index
      %parallel_loop3A_112 = arith.constant 64 : index
      %parallel_loop3A_113 = tpu.vector_load %arg5[%parallel_loop3A_111, %parallel_loop3A_112] {strides = array<i32>} : memref<400x128xf32, #tpu.memory_space<vmem>>, vector<1x16xf32>,
      %parallel_loop3A_114 = vector.shape_cast %parallel_loop3A_113 : vector<1x16xf32> to vector<16xf32>
      %parallel_loop3A_115 = math.exp %parallel_loop3A_114 : vector<16xf32>
      %parallel_loop3A_116 = arith.addf %parallel_loop3A_83, %parallel_loop3A_115 : vector<16xf32>
      %parallel_loop3A_117 = arith.index_cast %parallel_loop3A_78 : i32 to index
      %parallel_loop3A_118 = arith.constant 80 : index
      %parallel_loop3A_119 = tpu.vector_load %arg5[%parallel_loop3A_117, %parallel_loop3A_118] {strides = array<i32>} : memref<400x128xf32, #tpu.memory_space<vmem>>, vector<1x16xf32>,
      %parallel_loop3A_120 = vector.shape_cast %parallel_loop3A_119 : vector<1x16xf32> to vector<16xf32>
      %parallel_loop3A_121 = math.exp %parallel_loop3A_120 : vector<16xf32>
      %parallel_loop3A_122 = arith.addf %parallel_loop3A_84, %parallel_loop3A_121 : vector<16xf32>
      %parallel_loop3A_123 = arith.index_cast %parallel_loop3A_78 : i32 to index
      %parallel_loop3A_124 = arith.constant 96 : index
      %parallel_loop3A_125 = tpu.vector_load %arg5[%parallel_loop3A_123, %parallel_loop3A_124] {strides = array<i32>} : memref<400x128xf32, #tpu.memory_space<vmem>>, vector<1x16xf32>,
      %parallel_loop3A_126 = vector.shape_cast %parallel_loop3A_125 : vector<1x16xf32> to vector<16xf32>
      %parallel_loop3A_127 = math.exp %parallel_loop3A_126 : vector<16xf32>
      %parallel_loop3A_128 = arith.addf %parallel_loop3A_85, %parallel_loop3A_127 : vector<16xf32>
      %parallel_loop3A_129 = arith.index_cast %parallel_loop3A_78 : i32 to index
      %parallel_loop3A_130 = arith.constant 112 : index
      %parallel_loop3A_131 = tpu.vector_load %arg5[%parallel_loop3A_129, %parallel_loop3A_130] {strides = array<i32>} : memref<400x128xf32, #tpu.memory_space<vmem>>, vector<1x16xf32>,
      %parallel_loop3A_132 = vector.shape_cast %parallel_loop3A_131 : vector<1x16xf32> to vector<16xf32>
      %parallel_loop3A_133 = math.exp %parallel_loop3A_132 : vector<16xf32>
      %parallel_loop3A_134 = arith.addf %parallel_loop3A_86, %parallel_loop3A_133 : vector<16xf32>
      scf.yield %parallel_loop3A_92, %parallel_loop3A_98, %parallel_loop3A_104, %parallel_loop3A_110, %parallel_loop3A_116, %parallel_loop3A_122, %parallel_loop3A_128, %parallel_loop3A_134 : vector<16xf32>, vector<16xf32>, vector<16xf32>, vector<16xf32>, vector<16xf32>, vector<16xf32>, vector<16xf32>, vector<16xf32>
    } {sc.loop_unroll_factor = 4 : i64, sc.parallel_access}
    %dma_wait3A_59 = arith.constant 0 : i32
    %dma_wait3A_60 = tpu.memref_slice %arg2[%add3A_50, %dma_wait3A_59] : memref<100000x128xf32, #tpu.memory_space<hbm>> -> memref<400x128xf32, #tpu.memory_space<hbm>>
    %dma_wait3A_61 = arith.constant 0 : i32
    %dma_wait3A_62 = tpu.memref_slice %arg2[%add3A_50, %dma_wait3A_61] : memref<100000x128xf32, #tpu.memory_space<hbm>> -> memref<400x128xf32, #tpu.memory_space<hbm>>
    tpu.wait_dma2 semaphore(%arg7 : memref<!tpu.dma_semaphore, #tpu.memory_space<semaphore_mem>>) src(%dma_wait3A_62 : memref<400x128xf32, #tpu.memory_space<hbm>>) dst(%arg4 : memref<400x128xf32, #tpu.memory_space<vmem>>)
    %lt3A = arith.constant 29 : i32
    %lt3A_63 = arith.cmpi slt, %add3A, %lt3A : i32
    %convert_element_type3A = arith.extui %lt3A_63 : i1 to i32
    %cond3A = arith.constant 0 : i32
    %cond3A_64 = arith.cmpi ne, %convert_element_type3A, %cond3A : i32
    scf.if %cond3A_64 {
      %add3A_78 = arith.constant 96 : i32
      %add3A_79 = arith.addi %add3A, %add3A_78 : i32
      %mul3A_80 = arith.constant 400 : i32
      %mul3A_81 = arith.muli %add3A_79, %mul3A_80 : i32
      %add3A_82 = arith.constant 50000 : i32
      %add3A_83 = arith.addi %add3A_82, %mul3A_81 : i32
      %dma_start3A_84 = arith.constant 0 : i32
      %dma_start3A_85 = tpu.memref_slice %arg2[%add3A_83, %dma_start3A_84] : memref<100000x128xf32, #tpu.memory_space<hbm>> -> memref<400x128xf32, #tpu.memory_space<hbm>>
      %dma_start3A_86 = arith.constant 0 : i32
      %dma_start3A_87 = tpu.memref_slice %arg2[%add3A_83, %dma_start3A_86] : memref<100000x128xf32, #tpu.memory_space<hbm>> -> memref<400x128xf32, #tpu.memory_space<hbm>>
      tpu.enqueue_dma source(%dma_start3A_87 : memref<400x128xf32, #tpu.memory_space<hbm>>) target(%arg5 : memref<400x128xf32, #tpu.memory_space<vmem>>) target_semaphore(%arg8 : memref<!tpu.dma_semaphore, #tpu.memory_space<semaphore_mem>>)
    } else {
    }
    %parallel_loop3A_65 = arith.constant 0 : i32
    %parallel_loop3A_66 = arith.constant 400 : i32
    %parallel_loop3A_67 = arith.constant 1 : i32
    %parallel_loop3A_68:8 = scf.for %parallel_loop3A_78 = %parallel_loop3A_65 to %parallel_loop3A_66 step %parallel_loop3A_67 iter_args(%parallel_loop3A_79 = %parallel_loop3A_58#0, %parallel_loop3A_80 = %parallel_loop3A_58#1, %parallel_loop3A_81 = %parallel_loop3A_58#2, %parallel_loop3A_82 = %parallel_loop3A_58#3, %parallel_loop3A_83 = %parallel_loop3A_58#4, %parallel_loop3A_84 = %parallel_loop3A_58#5, %parallel_loop3A_85 = %parallel_loop3A_58#6, %parallel_loop3A_86 = %parallel_loop3A_58#7) -> (vector<16xf32>, vector<16xf32>, vector<16xf32>, vector<16xf32>, vector<16xf32>, vector<16xf32>, vector<16xf32>, vector<16xf32>)  : i32 {
      %parallel_loop3A_87 = arith.index_cast %parallel_loop3A_78 : i32 to index
      %parallel_loop3A_88 = arith.constant 0 : index
      %parallel_loop3A_89 = tpu.vector_load %arg4[%parallel_loop3A_87, %parallel_loop3A_88] {strides = array<i32>} : memref<400x128xf32, #tpu.memory_space<vmem>>, vector<1x16xf32>,
      %parallel_loop3A_90 = vector.shape_cast %parallel_loop3A_89 : vector<1x16xf32> to vector<16xf32>
      %parallel_loop3A_91 = math.exp %parallel_loop3A_90 : vector<16xf32>
      %parallel_loop3A_92 = arith.addf %parallel_loop3A_79, %parallel_loop3A_91 : vector<16xf32>
      %parallel_loop3A_93 = arith.index_cast %parallel_loop3A_78 : i32 to index
      %parallel_loop3A_94 = arith.constant 16 : index
      %parallel_loop3A_95 = tpu.vector_load %arg4[%parallel_loop3A_93, %parallel_loop3A_94] {strides = array<i32>} : memref<400x128xf32, #tpu.memory_space<vmem>>, vector<1x16xf32>,
      %parallel_loop3A_96 = vector.shape_cast %parallel_loop3A_95 : vector<1x16xf32> to vector<16xf32>
      %parallel_loop3A_97 = math.exp %parallel_loop3A_96 : vector<16xf32>
      %parallel_loop3A_98 = arith.addf %parallel_loop3A_80, %parallel_loop3A_97 : vector<16xf32>
      %parallel_loop3A_99 = arith.index_cast %parallel_loop3A_78 : i32 to index
      %parallel_loop3A_100 = arith.constant 32 : index
      %parallel_loop3A_101 = tpu.vector_load %arg4[%parallel_loop3A_99, %parallel_loop3A_100] {strides = array<i32>} : memref<400x128xf32, #tpu.memory_space<vmem>>, vector<1x16xf32>,
      %parallel_loop3A_102 = vector.shape_cast %parallel_loop3A_101 : vector<1x16xf32> to vector<16xf32>
      %parallel_loop3A_103 = math.exp %parallel_loop3A_102 : vector<16xf32>
      %parallel_loop3A_104 = arith.addf %parallel_loop3A_81, %parallel_loop3A_103 : vector<16xf32>
      %parallel_loop3A_105 = arith.index_cast %parallel_loop3A_78 : i32 to index
      %parallel_loop3A_106 = arith.constant 48 : index
      %parallel_loop3A_107 = tpu.vector_load %arg4[%parallel_loop3A_105, %parallel_loop3A_106] {strides = array<i32>} : memref<400x128xf32, #tpu.memory_space<vmem>>, vector<1x16xf32>,
      %parallel_loop3A_108 = vector.shape_cast %parallel_loop3A_107 : vector<1x16xf32> to vector<16xf32>
      %parallel_loop3A_109 = math.exp %parallel_loop3A_108 : vector<16xf32>
      %parallel_loop3A_110 = arith.addf %parallel_loop3A_82, %parallel_loop3A_109 : vector<16xf32>
      %parallel_loop3A_111 = arith.index_cast %parallel_loop3A_78 : i32 to index
      %parallel_loop3A_112 = arith.constant 64 : index
      %parallel_loop3A_113 = tpu.vector_load %arg4[%parallel_loop3A_111, %parallel_loop3A_112] {strides = array<i32>} : memref<400x128xf32, #tpu.memory_space<vmem>>, vector<1x16xf32>,
      %parallel_loop3A_114 = vector.shape_cast %parallel_loop3A_113 : vector<1x16xf32> to vector<16xf32>
      %parallel_loop3A_115 = math.exp %parallel_loop3A_114 : vector<16xf32>
      %parallel_loop3A_116 = arith.addf %parallel_loop3A_83, %parallel_loop3A_115 : vector<16xf32>
      %parallel_loop3A_117 = arith.index_cast %parallel_loop3A_78 : i32 to index
      %parallel_loop3A_118 = arith.constant 80 : index
      %parallel_loop3A_119 = tpu.vector_load %arg4[%parallel_loop3A_117, %parallel_loop3A_118] {strides = array<i32>} : memref<400x128xf32, #tpu.memory_space<vmem>>, vector<1x16xf32>,
      %parallel_loop3A_120 = vector.shape_cast %parallel_loop3A_119 : vector<1x16xf32> to vector<16xf32>
      %parallel_loop3A_121 = math.exp %parallel_loop3A_120 : vector<16xf32>
      %parallel_loop3A_122 = arith.addf %parallel_loop3A_84, %parallel_loop3A_121 : vector<16xf32>
      %parallel_loop3A_123 = arith.index_cast %parallel_loop3A_78 : i32 to index
      %parallel_loop3A_124 = arith.constant 96 : index
      %parallel_loop3A_125 = tpu.vector_load %arg4[%parallel_loop3A_123, %parallel_loop3A_124] {strides = array<i32>} : memref<400x128xf32, #tpu.memory_space<vmem>>, vector<1x16xf32>,
      %parallel_loop3A_126 = vector.shape_cast %parallel_loop3A_125 : vector<1x16xf32> to vector<16xf32>
      %parallel_loop3A_127 = math.exp %parallel_loop3A_126 : vector<16xf32>
      %parallel_loop3A_128 = arith.addf %parallel_loop3A_85, %parallel_loop3A_127 : vector<16xf32>
      %parallel_loop3A_129 = arith.index_cast %parallel_loop3A_78 : i32 to index
      %parallel_loop3A_130 = arith.constant 112 : index
      %parallel_loop3A_131 = tpu.vector_load %arg4[%parallel_loop3A_129, %parallel_loop3A_130] {strides = array<i32>} : memref<400x128xf32, #tpu.memory_space<vmem>>, vector<1x16xf32>,
      %parallel_loop3A_132 = vector.shape_cast %parallel_loop3A_131 : vector<1x16xf32> to vector<16xf32>
      %parallel_loop3A_133 = math.exp %parallel_loop3A_132 : vector<16xf32>
      %parallel_loop3A_134 = arith.addf %parallel_loop3A_86, %parallel_loop3A_133 : vector<16xf32>
      scf.yield %parallel_loop3A_92, %parallel_loop3A_98, %parallel_loop3A_104, %parallel_loop3A_110, %parallel_loop3A_116, %parallel_loop3A_122, %parallel_loop3A_128, %parallel_loop3A_134 : vector<16xf32>, vector<16xf32>, vector<16xf32>, vector<16xf32>, vector<16xf32>, vector<16xf32>, vector<16xf32>, vector<16xf32>
    } {sc.loop_unroll_factor = 4 : i64, sc.parallel_access}
    %lt3A_69 = arith.constant 29 : i32
    %lt3A_70 = arith.cmpi slt, %add3A, %lt3A_69 : i32
    %convert_element_type3A_71 = arith.extui %lt3A_70 : i1 to i32
    %cond3A_72 = arith.constant 0 : i32
    %cond3A_73 = arith.cmpi ne, %convert_element_type3A_71, %cond3A_72 : i32
    scf.if %cond3A_73 {
      %add3A_78 = arith.constant 96 : i32
      %add3A_79 = arith.addi %add3A, %add3A_78 : i32
      %mul3A_80 = arith.constant 400 : i32
      %mul3A_81 = arith.muli %add3A_79, %mul3A_80 : i32
      %add3A_82 = arith.constant 50000 : i32
      %add3A_83 = arith.addi %add3A_82, %mul3A_81 : i32
      %dma_wait3A_84 = arith.constant 0 : i32
      %dma_wait3A_85 = tpu.memref_slice %arg2[%add3A_83, %dma_wait3A_84] : memref<100000x128xf32, #tpu.memory_space<hbm>> -> memref<400x128xf32, #tpu.memory_space<hbm>>
      %dma_wait3A_86 = arith.constant 0 : i32
      %dma_wait3A_87 = tpu.memref_slice %arg2[%add3A_83, %dma_wait3A_86] : memref<100000x128xf32, #tpu.memory_space<hbm>> -> memref<400x128xf32, #tpu.memory_space<hbm>>
      tpu.wait_dma2 semaphore(%arg8 : memref<!tpu.dma_semaphore, #tpu.memory_space<semaphore_mem>>) src(%dma_wait3A_87 : memref<400x128xf32, #tpu.memory_space<hbm>>) dst(%arg5 : memref<400x128xf32, #tpu.memory_space<vmem>>)
      %parallel_loop3A_88 = arith.constant 0 : i32
      %parallel_loop3A_89 = arith.constant 400 : i32
      %parallel_loop3A_90 = arith.constant 1 : i32
      %parallel_loop3A_91:8 = scf.for %parallel_loop3A_123 = %parallel_loop3A_88 to %parallel_loop3A_89 step %parallel_loop3A_90 iter_args(%parallel_loop3A_124 = %parallel_loop3A_68#0, %parallel_loop3A_125 = %parallel_loop3A_68#1, %parallel_loop3A_126 = %parallel_loop3A_68#2, %parallel_loop3A_127 = %parallel_loop3A_68#3, %parallel_loop3A_128 = %parallel_loop3A_68#4, %parallel_loop3A_129 = %parallel_loop3A_68#5, %parallel_loop3A_130 = %parallel_loop3A_68#6, %parallel_loop3A_131 = %parallel_loop3A_68#7) -> (vector<16xf32>, vector<16xf32>, vector<16xf32>, vector<16xf32>, vector<16xf32>, vector<16xf32>, vector<16xf32>, vector<16xf32>)  : i32 {
        %parallel_loop3A_132 = arith.index_cast %parallel_loop3A_123 : i32 to index
        %parallel_loop3A_133 = arith.constant 0 : index
        %parallel_loop3A_134 = tpu.vector_load %arg5[%parallel_loop3A_132, %parallel_loop3A_133] {strides = array<i32>} : memref<400x128xf32, #tpu.memory_space<vmem>>, vector<1x16xf32>,
        %parallel_loop3A_135 = vector.shape_cast %parallel_loop3A_134 : vector<1x16xf32> to vector<16xf32>
        %parallel_loop3A_136 = math.exp %parallel_loop3A_135 : vector<16xf32>
        %parallel_loop3A_137 = arith.addf %parallel_loop3A_124, %parallel_loop3A_136 : vector<16xf32>
        %parallel_loop3A_138 = arith.index_cast %parallel_loop3A_123 : i32 to index
        %parallel_loop3A_139 = arith.constant 16 : index
        %parallel_loop3A_140 = tpu.vector_load %arg5[%parallel_loop3A_138, %parallel_loop3A_139] {strides = array<i32>} : memref<400x128xf32, #tpu.memory_space<vmem>>, vector<1x16xf32>,
        %parallel_loop3A_141 = vector.shape_cast %parallel_loop3A_140 : vector<1x16xf32> to vector<16xf32>
        %parallel_loop3A_142 = math.exp %parallel_loop3A_141 : vector<16xf32>
        %parallel_loop3A_143 = arith.addf %parallel_loop3A_125, %parallel_loop3A_142 : vector<16xf32>
        %parallel_loop3A_144 = arith.index_cast %parallel_loop3A_123 : i32 to index
        %parallel_loop3A_145 = arith.constant 32 : index
        %parallel_loop3A_146 = tpu.vector_load %arg5[%parallel_loop3A_144, %parallel_loop3A_145] {strides = array<i32>} : memref<400x128xf32, #tpu.memory_space<vmem>>, vector<1x16xf32>,
        %parallel_loop3A_147 = vector.shape_cast %parallel_loop3A_146 : vector<1x16xf32> to vector<16xf32>
        %parallel_loop3A_148 = math.exp %parallel_loop3A_147 : vector<16xf32>
        %parallel_loop3A_149 = arith.addf %parallel_loop3A_126, %parallel_loop3A_148 : vector<16xf32>
        %parallel_loop3A_150 = arith.index_cast %parallel_loop3A_123 : i32 to index
        %parallel_loop3A_151 = arith.constant 48 : index
        %parallel_loop3A_152 = tpu.vector_load %arg5[%parallel_loop3A_150, %parallel_loop3A_151] {strides = array<i32>} : memref<400x128xf32, #tpu.memory_space<vmem>>, vector<1x16xf32>,
        %parallel_loop3A_153 = vector.shape_cast %parallel_loop3A_152 : vector<1x16xf32> to vector<16xf32>
        %parallel_loop3A_154 = math.exp %parallel_loop3A_153 : vector<16xf32>
        %parallel_loop3A_155 = arith.addf %parallel_loop3A_127, %parallel_loop3A_154 : vector<16xf32>
        %parallel_loop3A_156 = arith.index_cast %parallel_loop3A_123 : i32 to index
        %parallel_loop3A_157 = arith.constant 64 : index
        %parallel_loop3A_158 = tpu.vector_load %arg5[%parallel_loop3A_156, %parallel_loop3A_157] {strides = array<i32>} : memref<400x128xf32, #tpu.memory_space<vmem>>, vector<1x16xf32>,
        %parallel_loop3A_159 = vector.shape_cast %parallel_loop3A_158 : vector<1x16xf32> to vector<16xf32>
        %parallel_loop3A_160 = math.exp %parallel_loop3A_159 : vector<16xf32>
        %parallel_loop3A_161 = arith.addf %parallel_loop3A_128, %parallel_loop3A_160 : vector<16xf32>
        %parallel_loop3A_162 = arith.index_cast %parallel_loop3A_123 : i32 to index
        %parallel_loop3A_163 = arith.constant 80 : index
        %parallel_loop3A_164 = tpu.vector_load %arg5[%parallel_loop3A_162, %parallel_loop3A_163] {strides = array<i32>} : memref<400x128xf32, #tpu.memory_space<vmem>>, vector<1x16xf32>,
        %parallel_loop3A_165 = vector.shape_cast %parallel_loop3A_164 : vector<1x16xf32> to vector<16xf32>
        %parallel_loop3A_166 = math.exp %parallel_loop3A_165 : vector<16xf32>
        %parallel_loop3A_167 = arith.addf %parallel_loop3A_129, %parallel_loop3A_166 : vector<16xf32>
        %parallel_loop3A_168 = arith.index_cast %parallel_loop3A_123 : i32 to index
        %parallel_loop3A_169 = arith.constant 96 : index
        %parallel_loop3A_170 = tpu.vector_load %arg5[%parallel_loop3A_168, %parallel_loop3A_169] {strides = array<i32>} : memref<400x128xf32, #tpu.memory_space<vmem>>, vector<1x16xf32>,
        %parallel_loop3A_171 = vector.shape_cast %parallel_loop3A_170 : vector<1x16xf32> to vector<16xf32>
        %parallel_loop3A_172 = math.exp %parallel_loop3A_171 : vector<16xf32>
        %parallel_loop3A_173 = arith.addf %parallel_loop3A_130, %parallel_loop3A_172 : vector<16xf32>
        %parallel_loop3A_174 = arith.index_cast %parallel_loop3A_123 : i32 to index
        %parallel_loop3A_175 = arith.constant 112 : index
        %parallel_loop3A_176 = tpu.vector_load %arg5[%parallel_loop3A_174, %parallel_loop3A_175] {strides = array<i32>} : memref<400x128xf32, #tpu.memory_space<vmem>>, vector<1x16xf32>,
        %parallel_loop3A_177 = vector.shape_cast %parallel_loop3A_176 : vector<1x16xf32> to vector<16xf32>
        %parallel_loop3A_178 = math.exp %parallel_loop3A_177 : vector<16xf32>
        %parallel_loop3A_179 = arith.addf %parallel_loop3A_131, %parallel_loop3A_178 : vector<16xf32>
        scf.yield %parallel_loop3A_137, %parallel_loop3A_143, %parallel_loop3A_149, %parallel_loop3A_155, %parallel_loop3A_161, %parallel_loop3A_167, %parallel_loop3A_173, %parallel_loop3A_179 : vector<16xf32>, vector<16xf32>, vector<16xf32>, vector<16xf32>, vector<16xf32>, vector<16xf32>, vector<16xf32>, vector<16xf32>
      } {sc.loop_unroll_factor = 4 : i64, sc.parallel_access}
      %swap3A = arith.constant 0 : index
      %swap3A_92 = tpu.vector_load %arg6[%swap3A] {strides = array<i32>} : memref<128xf32, #tpu.memory_space<vmem>>, vector<16xf32>,
      %swap3A_93 = vector.shape_cast %swap3A_92 : vector<16xf32> to vector<16xf32>
      %swap3A_94 = vector.shape_cast %parallel_loop3A_91#0 : vector<16xf32> to vector<16xf32>
      tpu.vector_store %arg6[%swap3A], %swap3A_94 {strides = array<i32>} : memref<128xf32, #tpu.memory_space<vmem>>, vector<16xf32>,
      %swap3A_95 = arith.constant 16 : index
      %swap3A_96 = tpu.vector_load %arg6[%swap3A_95] {strides = array<i32>} : memref<128xf32, #tpu.memory_space<vmem>>, vector<16xf32>,
      %swap3A_97 = vector.shape_cast %swap3A_96 : vector<16xf32> to vector<16xf32>
      %swap3A_98 = vector.shape_cast %parallel_loop3A_91#1 : vector<16xf32> to vector<16xf32>
      tpu.vector_store %arg6[%swap3A_95], %swap3A_98 {strides = array<i32>} : memref<128xf32, #tpu.memory_space<vmem>>, vector<16xf32>,
      %swap3A_99 = arith.constant 32 : index
      %swap3A_100 = tpu.vector_load %arg6[%swap3A_99] {strides = array<i32>} : memref<128xf32, #tpu.memory_space<vmem>>, vector<16xf32>,
      %swap3A_101 = vector.shape_cast %swap3A_100 : vector<16xf32> to vector<16xf32>
      %swap3A_102 = vector.shape_cast %parallel_loop3A_91#2 : vector<16xf32> to vector<16xf32>
      tpu.vector_store %arg6[%swap3A_99], %swap3A_102 {strides = array<i32>} : memref<128xf32, #tpu.memory_space<vmem>>, vector<16xf32>,
      %swap3A_103 = arith.constant 48 : index
      %swap3A_104 = tpu.vector_load %arg6[%swap3A_103] {strides = array<i32>} : memref<128xf32, #tpu.memory_space<vmem>>, vector<16xf32>,
      %swap3A_105 = vector.shape_cast %swap3A_104 : vector<16xf32> to vector<16xf32>
      %swap3A_106 = vector.shape_cast %parallel_loop3A_91#3 : vector<16xf32> to vector<16xf32>
      tpu.vector_store %arg6[%swap3A_103], %swap3A_106 {strides = array<i32>} : memref<128xf32, #tpu.memory_space<vmem>>, vector<16xf32>,
      %swap3A_107 = arith.constant 64 : index
      %swap3A_108 = tpu.vector_load %arg6[%swap3A_107] {strides = array<i32>} : memref<128xf32, #tpu.memory_space<vmem>>, vector<16xf32>,
      %swap3A_109 = vector.shape_cast %swap3A_108 : vector<16xf32> to vector<16xf32>
      %swap3A_110 = vector.shape_cast %parallel_loop3A_91#4 : vector<16xf32> to vector<16xf32>
      tpu.vector_store %arg6[%swap3A_107], %swap3A_110 {strides = array<i32>} : memref<128xf32, #tpu.memory_space<vmem>>, vector<16xf32>,
      %swap3A_111 = arith.constant 80 : index
      %swap3A_112 = tpu.vector_load %arg6[%swap3A_111] {strides = array<i32>} : memref<128xf32, #tpu.memory_space<vmem>>, vector<16xf32>,
      %swap3A_113 = vector.shape_cast %swap3A_112 : vector<16xf32> to vector<16xf32>
      %swap3A_114 = vector.shape_cast %parallel_loop3A_91#5 : vector<16xf32> to vector<16xf32>
      tpu.vector_store %arg6[%swap3A_111], %swap3A_114 {strides = array<i32>} : memref<128xf32, #tpu.memory_space<vmem>>, vector<16xf32>,
      %swap3A_115 = arith.constant 96 : index
      %swap3A_116 = tpu.vector_load %arg6[%swap3A_115] {strides = array<i32>} : memref<128xf32, #tpu.memory_space<vmem>>, vector<16xf32>,
      %swap3A_117 = vector.shape_cast %swap3A_116 : vector<16xf32> to vector<16xf32>
      %swap3A_118 = vector.shape_cast %parallel_loop3A_91#6 : vector<16xf32> to vector<16xf32>
      tpu.vector_store %arg6[%swap3A_115], %swap3A_118 {strides = array<i32>} : memref<128xf32, #tpu.memory_space<vmem>>, vector<16xf32>,
      %swap3A_119 = arith.constant 112 : index
      %swap3A_120 = tpu.vector_load %arg6[%swap3A_119] {strides = array<i32>} : memref<128xf32, #tpu.memory_space<vmem>>, vector<16xf32>,
      %swap3A_121 = vector.shape_cast %swap3A_120 : vector<16xf32> to vector<16xf32>
      %swap3A_122 = vector.shape_cast %parallel_loop3A_91#7 : vector<16xf32> to vector<16xf32>
      tpu.vector_store %arg6[%swap3A_119], %swap3A_122 {strides = array<i32>} : memref<128xf32, #tpu.memory_space<vmem>>, vector<16xf32>,
    } else {
    }
    %ge3A = arith.constant 29 : i32
    %ge3A_74 = arith.cmpi sge, %add3A, %ge3A : i32
    %convert_element_type3A_75 = arith.extui %ge3A_74 : i1 to i32
    %cond3A_76 = arith.constant 0 : i32
    %cond3A_77 = arith.cmpi ne, %convert_element_type3A_75, %cond3A_76 : i32
    scf.if %cond3A_77 {
      %swap3A = arith.constant 0 : index
      %swap3A_78 = tpu.vector_load %arg6[%swap3A] {strides = array<i32>} : memref<128xf32, #tpu.memory_space<vmem>>, vector<16xf32>,
      %swap3A_79 = vector.shape_cast %swap3A_78 : vector<16xf32> to vector<16xf32>
      %swap3A_80 = vector.shape_cast %parallel_loop3A_68#0 : vector<16xf32> to vector<16xf32>
      tpu.vector_store %arg6[%swap3A], %swap3A_80 {strides = array<i32>} : memref<128xf32, #tpu.memory_space<vmem>>, vector<16xf32>,
      %swap3A_81 = arith.constant 16 : index
      %swap3A_82 = tpu.vector_load %arg6[%swap3A_81] {strides = array<i32>} : memref<128xf32, #tpu.memory_space<vmem>>, vector<16xf32>,
      %swap3A_83 = vector.shape_cast %swap3A_82 : vector<16xf32> to vector<16xf32>
      %swap3A_84 = vector.shape_cast %parallel_loop3A_68#1 : vector<16xf32> to vector<16xf32>
      tpu.vector_store %arg6[%swap3A_81], %swap3A_84 {strides = array<i32>} : memref<128xf32, #tpu.memory_space<vmem>>, vector<16xf32>,
      %swap3A_85 = arith.constant 32 : index
      %swap3A_86 = tpu.vector_load %arg6[%swap3A_85] {strides = array<i32>} : memref<128xf32, #tpu.memory_space<vmem>>, vector<16xf32>,
      %swap3A_87 = vector.shape_cast %swap3A_86 : vector<16xf32> to vector<16xf32>
      %swap3A_88 = vector.shape_cast %parallel_loop3A_68#2 : vector<16xf32> to vector<16xf32>
      tpu.vector_store %arg6[%swap3A_85], %swap3A_88 {strides = array<i32>} : memref<128xf32, #tpu.memory_space<vmem>>, vector<16xf32>,
      %swap3A_89 = arith.constant 48 : index
      %swap3A_90 = tpu.vector_load %arg6[%swap3A_89] {strides = array<i32>} : memref<128xf32, #tpu.memory_space<vmem>>, vector<16xf32>,
      %swap3A_91 = vector.shape_cast %swap3A_90 : vector<16xf32> to vector<16xf32>
      %swap3A_92 = vector.shape_cast %parallel_loop3A_68#3 : vector<16xf32> to vector<16xf32>
      tpu.vector_store %arg6[%swap3A_89], %swap3A_92 {strides = array<i32>} : memref<128xf32, #tpu.memory_space<vmem>>, vector<16xf32>,
      %swap3A_93 = arith.constant 64 : index
      %swap3A_94 = tpu.vector_load %arg6[%swap3A_93] {strides = array<i32>} : memref<128xf32, #tpu.memory_space<vmem>>, vector<16xf32>,
      %swap3A_95 = vector.shape_cast %swap3A_94 : vector<16xf32> to vector<16xf32>
      %swap3A_96 = vector.shape_cast %parallel_loop3A_68#4 : vector<16xf32> to vector<16xf32>
      tpu.vector_store %arg6[%swap3A_93], %swap3A_96 {strides = array<i32>} : memref<128xf32, #tpu.memory_space<vmem>>, vector<16xf32>,
      %swap3A_97 = arith.constant 80 : index
      %swap3A_98 = tpu.vector_load %arg6[%swap3A_97] {strides = array<i32>} : memref<128xf32, #tpu.memory_space<vmem>>, vector<16xf32>,
      %swap3A_99 = vector.shape_cast %swap3A_98 : vector<16xf32> to vector<16xf32>
      %swap3A_100 = vector.shape_cast %parallel_loop3A_68#5 : vector<16xf32> to vector<16xf32>
      tpu.vector_store %arg6[%swap3A_97], %swap3A_100 {strides = array<i32>} : memref<128xf32, #tpu.memory_space<vmem>>, vector<16xf32>,
      %swap3A_101 = arith.constant 96 : index
      %swap3A_102 = tpu.vector_load %arg6[%swap3A_101] {strides = array<i32>} : memref<128xf32, #tpu.memory_space<vmem>>, vector<16xf32>,
      %swap3A_103 = vector.shape_cast %swap3A_102 : vector<16xf32> to vector<16xf32>
      %swap3A_104 = vector.shape_cast %parallel_loop3A_68#6 : vector<16xf32> to vector<16xf32>
      tpu.vector_store %arg6[%swap3A_101], %swap3A_104 {strides = array<i32>} : memref<128xf32, #tpu.memory_space<vmem>>, vector<16xf32>,
      %swap3A_105 = arith.constant 112 : index
      %swap3A_106 = tpu.vector_load %arg6[%swap3A_105] {strides = array<i32>} : memref<128xf32, #tpu.memory_space<vmem>>, vector<16xf32>,
      %swap3A_107 = vector.shape_cast %swap3A_106 : vector<16xf32> to vector<16xf32>
      %swap3A_108 = vector.shape_cast %parallel_loop3A_68#7 : vector<16xf32> to vector<16xf32>
      tpu.vector_store %arg6[%swap3A_105], %swap3A_108 {strides = array<i32>} : memref<128xf32, #tpu.memory_space<vmem>>, vector<16xf32>,
    } else {
    }
    "tpu.region"() ({
      %run_scoped3A = tpu.sem_alloc : memref<!tpu.dma_semaphore, #tpu.memory_space<semaphore_mem>>
      %dma_start3A_78 = arith.constant 0 : i32
      %dma_start3A_79 = tpu.memref_slice %arg3[%add3A, %dma_start3A_78] : memref<32x128xf32, #tpu.memory_space<hbm>> -> memref<1x128xf32, #tpu.memory_space<hbm>>
      %dma_start3A_80 = tpu.memref_squeeze %dma_start3A_79 : memref<1x128xf32, #tpu.memory_space<hbm>> -> memref<128xf32, #tpu.memory_space<hbm>>
      %dma_start3A_81 = arith.constant 0 : i32
      %dma_start3A_82 = tpu.memref_slice %arg3[%add3A, %dma_start3A_81] : memref<32x128xf32, #tpu.memory_space<hbm>> -> memref<1x128xf32, #tpu.memory_space<hbm>>
      %dma_start3A_83 = tpu.memref_squeeze %dma_start3A_82 : memref<1x128xf32, #tpu.memory_space<hbm>> -> memref<128xf32, #tpu.memory_space<hbm>>
      tpu.enqueue_dma source(%arg6 : memref<128xf32, #tpu.memory_space<vmem>>) target(%dma_start3A_83 : memref<128xf32, #tpu.memory_space<hbm>>) target_semaphore(%run_scoped3A : memref<!tpu.dma_semaphore, #tpu.memory_space<semaphore_mem>>)
      %dma_wait3A_84 = arith.constant 0 : i32
      %dma_wait3A_85 = tpu.memref_slice %arg3[%add3A, %dma_wait3A_84] : memref<32x128xf32, #tpu.memory_space<hbm>> -> memref<1x128xf32, #tpu.memory_space<hbm>>
      %dma_wait3A_86 = tpu.memref_squeeze %dma_wait3A_85 : memref<1x128xf32, #tpu.memory_space<hbm>> -> memref<128xf32, #tpu.memory_space<hbm>>
      %dma_wait3A_87 = arith.constant 0 : i32
      %dma_wait3A_88 = tpu.memref_slice %arg3[%add3A, %dma_wait3A_87] : memref<32x128xf32, #tpu.memory_space<hbm>> -> memref<1x128xf32, #tpu.memory_space<hbm>>
      %dma_wait3A_89 = tpu.memref_squeeze %dma_wait3A_88 : memref<1x128xf32, #tpu.memory_space<hbm>> -> memref<128xf32, #tpu.memory_space<hbm>>
      tpu.wait_dma2 semaphore(%run_scoped3A : memref<!tpu.dma_semaphore, #tpu.memory_space<semaphore_mem>>) src(%arg6 : memref<128xf32, #tpu.memory_space<vmem>>) dst(%dma_wait3A_89 : memref<128xf32, #tpu.memory_space<hbm>>)
      tpu.yield
    }) : () -> ()
    return
  }
}

module attributes {stable_mosaic.version = 14 : i64} {
  func.func @_tc_partials(%arg0: i32, %arg1: memref<10000x128xf32, #tpu.memory_space<vmem>>, %arg2: memref<8x128xf32, #tpu.memory_space<vmem>>) attributes {dimension_semantics = [#tpu.dimension_semantics<arbitrary>], iteration_bounds = array<i64: 5>, scalar_prefetch = 0 : i64, scratch_operands = 0 : i64, tpu.core_type = #tpu.core_type<tc>, window_params = [{transform_indices = @transform_0, window_bounds = array<i64: 10000, 128>}, {pipeline_mode = #tpu.pipeline_mode<synchronous>, transform_indices = @transform_1, window_bounds = array<i64: 8, 128>}]} {
    %eq3A = arith.constant 0 : i32
    %eq3A_0 = arith.cmpi eq, %arg0, %eq3A : i32
    %convert_element_type3A = arith.extui %eq3A_0 : i1 to i32
    %cond3A = arith.constant 0 : i32
    %cond3A_1 = arith.cmpi ne, %convert_element_type3A, %cond3A : i32
    scf.if %cond3A_1 {
      %broadcast_in_dim3A = arith.constant 0.000000e+00 : f32
      %broadcast_in_dim3A_10 = vector.broadcast %broadcast_in_dim3A : f32 to vector<8x128xf32>
      %swap3A_11 = arith.constant 0 : index
      %swap3A_12 = arith.constant 0 : index
      %swap3A_13 = vector.load %arg2[%swap3A_11, %swap3A_12] : memref<8x128xf32, #tpu.memory_space<vmem>>, vector<8x128xf32>
      tpu.vector_store %arg2[%swap3A_11, %swap3A_12], %broadcast_in_dim3A_10 {strides = array<i32>} : memref<8x128xf32, #tpu.memory_space<vmem>>, vector<8x128xf32>,
    } else {
    }
    %get3A = arith.constant 0 : index
    %get3A_2 = arith.constant 0 : index
    %get3A_3 = vector.load %arg1[%get3A, %get3A_2] : memref<10000x128xf32, #tpu.memory_space<vmem>>, vector<10000x128xf32>
    %exp3A = math.exp %get3A_3 : vector<10000x128xf32>
    %get3A_4 = arith.constant 0 : index
    %get3A_5 = arith.constant 0 : index
    %get3A_6 = vector.load %arg2[%get3A_4, %get3A_5] : memref<8x128xf32, #tpu.memory_space<vmem>>, vector<8x128xf32>
    %reshape3A = vector.shape_cast %exp3A : vector<10000x128xf32> to vector<1250x8x128xf32>
    %reduce_sum3A = arith.constant dense<0.000000e+00> : vector<8x128xf32>
    %reduce_sum3A_7 = vector.multi_reduction <add>, %reshape3A, %reduce_sum3A [0] : vector<1250x8x128xf32> to vector<8x128xf32>
    %add3A = arith.addf %get3A_6, %reduce_sum3A_7 : vector<8x128xf32>
    %swap3A = arith.constant 0 : index
    %swap3A_8 = arith.constant 0 : index
    %swap3A_9 = vector.load %arg2[%swap3A, %swap3A_8] : memref<8x128xf32, #tpu.memory_space<vmem>>, vector<8x128xf32>
    tpu.vector_store %arg2[%swap3A, %swap3A_8], %add3A {strides = array<i32>} : memref<8x128xf32, #tpu.memory_space<vmem>>, vector<8x128xf32>,
    return
  }
  func.func @transform_0(%arg0: i32) -> (i32, i32) {
    %c0_i32 = arith.constant 0 : i32
    %c0_i32_0 = arith.constant 0 : i32
    return %arg0, %c0_i32 : i32, i32
  }
  func.func @transform_1(%arg0: i32) -> (i32, i32) {
    %c0_i32 = arith.constant 0 : i32
    %c0_i32_0 = arith.constant 0 : i32
    %c0_i32_1 = arith.constant 0 : i32
    return %c0_i32, %c0_i32_0 : i32, i32
  }
}

module attributes {stable_mosaic.version = 14 : i64} {
  func.func @_tc_normalize(%arg0: i32, %arg1: memref<10000x128xf32, #tpu.memory_space<vmem>>, %arg2: memref<8x128xf32, #tpu.memory_space<vmem>>, %arg3: memref<32x128xf32, #tpu.memory_space<vmem>>, %arg4: memref<10000x128xf32, #tpu.memory_space<vmem>>, %arg5: memref<8x128xf32, #tpu.memory_space<vmem>>) attributes {dimension_semantics = [#tpu.dimension_semantics<arbitrary>], iteration_bounds = array<i64: 10>, scalar_prefetch = 0 : i64, scratch_operands = 1 : i64, tpu.core_type = #tpu.core_type<tc>, window_params = [{transform_indices = @transform_0, window_bounds = array<i64: 10000, 128>}, {pipeline_mode = #tpu.pipeline_mode<synchronous>, transform_indices = @transform_1, window_bounds = array<i64: 8, 128>}, {pipeline_mode = #tpu.pipeline_mode<synchronous>, transform_indices = @transform_2, window_bounds = array<i64: 32, 128>}, {transform_indices = @transform_3, window_bounds = array<i64: 10000, 128>}]} {
    %eq3A = arith.constant 0 : i32
    %eq3A_0 = arith.cmpi eq, %arg0, %eq3A : i32
    %convert_element_type3A = arith.extui %eq3A_0 : i1 to i32
    %cond3A = arith.constant 0 : i32
    %cond3A_1 = arith.cmpi ne, %convert_element_type3A, %cond3A : i32
    scf.if %cond3A_1 {
      %get3A_10 = arith.constant 0 : index
      %get3A_11 = arith.constant 0 : index
      %get3A_12 = vector.load %arg2[%get3A_10, %get3A_11] : memref<8x128xf32, #tpu.memory_space<vmem>>, vector<8x128xf32>
      %reduce_sum3A = arith.constant dense<0.000000e+00> : vector<128xf32>
      %reduce_sum3A_13 = vector.multi_reduction <add>, %get3A_12, %reduce_sum3A [0] : vector<8x128xf32> to vector<128xf32>
      %broadcast_in_dim3A = vector.shape_cast %reduce_sum3A_13 : vector<128xf32> to vector<1x128xf32>
      %get3A_14 = arith.constant 0 : index
      %get3A_15 = arith.constant 0 : index
      %get3A_16 = vector.load %arg3[%get3A_14, %get3A_15] : memref<32x128xf32, #tpu.memory_space<vmem>>, vector<32x128xf32>
      %reduce_sum3A_17 = arith.constant dense<0.000000e+00> : vector<128xf32>
      %reduce_sum3A_18 = vector.multi_reduction <add>, %get3A_16, %reduce_sum3A_17 [0] : vector<32x128xf32> to vector<128xf32>
      %broadcast_in_dim3A_19 = vector.shape_cast %reduce_sum3A_18 : vector<128xf32> to vector<1x128xf32>
      %add3A = arith.addf %broadcast_in_dim3A, %broadcast_in_dim3A_19 : vector<1x128xf32>
      %log3A = math.log %add3A : vector<1x128xf32>
      %broadcast_in_dim3A_20 = vector.shape_cast %log3A : vector<1x128xf32> to vector<1x128xf32>
      %broadcast_in_dim3A_21 = vector.broadcast %broadcast_in_dim3A_20 : vector<1x128xf32> to vector<8x128xf32>
      %swap3A_22 = arith.constant 0 : index
      %swap3A_23 = arith.constant 0 : index
      %swap3A_24 = vector.load %arg5[%swap3A_22, %swap3A_23] : memref<8x128xf32, #tpu.memory_space<vmem>>, vector<8x128xf32>
      tpu.vector_store %arg5[%swap3A_22, %swap3A_23], %broadcast_in_dim3A_21 {strides = array<i32>} : memref<8x128xf32, #tpu.memory_space<vmem>>, vector<8x128xf32>,
    } else {
    }
    %get3A = arith.constant 0 : index
    %get3A_2 = arith.constant 0 : index
    %get3A_3 = vector.load %arg1[%get3A, %get3A_2] : memref<10000x128xf32, #tpu.memory_space<vmem>>, vector<10000x128xf32>
    %get3A_4 = arith.constant 0 : index
    %get3A_5 = arith.constant 0 : index
    %get3A_6 = vector.load %arg5[%get3A_4, %get3A_5] : memref<8x128xf32, #tpu.memory_space<vmem>>, vector<1x128xf32>
    %sub3A = vector.broadcast %get3A_6 : vector<1x128xf32> to vector<10000x128xf32>
    %sub3A_7 = arith.subf %get3A_3, %sub3A : vector<10000x128xf32>
    %swap3A = arith.constant 0 : index
    %swap3A_8 = arith.constant 0 : index
    %swap3A_9 = vector.load %arg4[%swap3A, %swap3A_8] : memref<10000x128xf32, #tpu.memory_space<vmem>>, vector<10000x128xf32>
    tpu.vector_store %arg4[%swap3A, %swap3A_8], %sub3A_7 {strides = array<i32>} : memref<10000x128xf32, #tpu.memory_space<vmem>>, vector<10000x128xf32>,
    return
  }
  func.func @transform_0(%arg0: i32) -> (i32, i32) {
    %c0_i32 = arith.constant 0 : i32
    %c0_i32_0 = arith.constant 0 : i32
    return %arg0, %c0_i32 : i32, i32
  }
  func.func @transform_1(%arg0: i32) -> (i32, i32) {
    %c0_i32 = arith.constant 0 : i32
    %c0_i32_0 = arith.constant 0 : i32
    %c0_i32_1 = arith.constant 0 : i32
    return %c0_i32, %c0_i32_0 : i32, i32
  }
  func.func @transform_2(%arg0: i32) -> (i32, i32) {
    %c0_i32 = arith.constant 0 : i32
    %c0_i32_0 = arith.constant 0 : i32
    %c0_i32_1 = arith.constant 0 : i32
    return %c0_i32, %c0_i32_0 : i32, i32
  }
  func.func @transform_3(%arg0: i32) -> (i32, i32) {
    %c0_i32 = arith.constant 0 : i32
    %c0_i32_0 = arith.constant 0 : i32
    return %arg0, %c0_i32 : i32, i32
  }
}

</mosaic_0001>

<sc_bundles>
// kernel: kernel.5.cloned.1.call-start
scs
__scs_entry_jumppad:
0x0: {  	(pc) =	sbr.rel $0x88, $3  }
0x1: {  	(tag) =	ssettag $0x0;
	lr =	simm.s32 $0x1  }
0x2: {  	[smem:$0x3FA0] =	sst lr;
	_ =	strace $0xD0000000  }
0x3: {  	_ = 	snop  }
0x4: {  	_ = 	snop  }
0x5: {  	_ = 	snop  }
0x6: {  	_ = 	snop  }
0x7: {  	_ = 	snop  }
__scs_overlays_trampoline_lowered:
0x8: {  	[smem:$0x3FAF] =	sst s0  }
0x9: {  	[smem:$0x3FB0] =	sst s1  }
0xa: {  	[smem:$0x3FB1] =	sst s2  }
0xb: {  	[smem:$0x3FB2] =	sst s3  }
0xc: {  	[smem:$0x3FB3] =	sst s4  }
0xd: {  	[smem:$0x3FB4] =	sst s5  }
0xe: {  	[smem:$0x3FB5] =	sst s6  }
0xf: {  	[smem:$0x3FB6] =	sst s7  }
0x10: {  	[smem:$0x3FB7] =	sst s8  }
0x11: {  	[smem:$0x3FB8] =	sst s9;
	s0 =	simm.s32 @!p0 $0x0  }
0x12: {  	s1 =	sld [smem:$0x3F9E];
	s0 =	simm.s32 @p0 $0x1  }
0x13: {  	[smem:$0x3FB9] =	sst s0;
	s0 =	simm.s32 @!p1 $0x0  }
0x14: {  	s2 =	sld [smem:$0x3F9D];
	s0 =	simm.s32 @p1 $0x1  }
0x15: {  	[smem:$0x3FBA] =	sst s0;
	s0 =	simm.s32 @!p2 $0x0  }
0x16: {  	s3 =	sld [smem:$0x3FDB];
	s0 =	simm.s32 @p2 $0x1  }
0x17: {  	s4 =	simm.s32 $0x1BF5;
	[smem:$0x3FBC] =	sst s0  }
0x18: {  	s0 =	sld [smem:$0x3F9F];
	_ =	swait.ge [sflag:s4], $0x0  }
0x19: {  	s7 =	sld [smem:$0x3FA0]  }
0x1a: {  	s8 =	sadd.s32 $0xFFFFE003, lr  }
0x1b: {  	s9 =	sadd.s32 $0xFFFFFEF7, lr;
	s5 =	simm.s32 $0xFFFFFFFF;
	p2 =	slt.u32 s8, $0xFFFFF086  }
0x1c: {  	p1 =	slt.u32 s9, $0xF7A;
	s5 =	simm.s32 @!p2 $0x0  }
0x1d: {  	s5 =	simm.s32 @p1 $0x1;
	p0 =	seq.s32 s7, s2  }
0x1e: {  	s7 =	smul.u32 @!p0 $0xF7A, s2;
	p2 =	seq.s32 @!p0 s5, $0x0  }
0x1f: {  	s9 =	smul.u32 $0xF7A, s1;
	s8 =	simm.s32 @!p0 $0x1BF5;
	p2 =	por !p2, p0  }
0x20: {  	[sflag:s8] =	ssyncset.s32 @!p0 $0xFFFFF086;
	s6 =	sadd.s32 @!p0 s3, s7;
	s7 =	simm.s32 @!p0 $0x108  }
0x21: {  	s3 =	sadd.s32 s3, s9;
	s6 =	sadd.s32 @!p0 $0x88, s6;
	s7 =	simm.s32 @p2 $0x1082  }
0x22: {  	[simem:s7], [sflag:s8] =	dma.local @!p0 [hbm:s6], $0xF7A  }
0x23: {  	s9 =	sor.u32 $0xD0000000, s2;
	s6 =	simm.s32 $0x108;
	_ =	swait.ge @!p0 [sflag:s8], $0x0  }
0x24: {  	s3 =	sadd.s32 $0x88, s3;
	s6 =	simm.s32 @!p1 $0x1082;
	[sflag:s4] =	ssyncset.s32 $0xFFFFF086  }
0x25: {  	[simem:s6], [sflag:s4] =	dma.local [hbm:s3], $0xF7A  }
0x26: {  	[smem:$0x3FA0] =	sst s1;
	(tag) =	ssettag s2;
	_ =	strace s9  }
0x27: {  	s1 =	sld [smem:$0x3FB0]  }
0x28: {  	s2 =	sld [smem:$0x3FB1]  }
0x29: {  	s4 =	sld [smem:$0x3FB3]  }
0x2a: {  	p0 =	seq.s32 s5, $0x0;
	s5 =	sld [smem:$0x3FB4]  }
0x2b: {  	s6 =	sld [smem:$0x3FB5]  }
0x2c: {  	s7 =	sld [smem:$0x3FB6]  }
0x2d: {  	s3 =	simm.s32 $0x108;
	s8 =	sld [smem:$0x3FB7]  }
0x2e: {  	s3 =	simm.s32 @!p0 $0x1082;
	s9 =	sld [smem:$0x3FB8]  }
0x2f: {  	lr =	sadd.s32 s0, s3;
	s0 =	sld [smem:$0x3FAF]  }
0x30: {  	s3 =	sld [smem:$0x3FB2]  }
0x31: {  	[smem:$0x3FBB] =	sst s10  }
0x32: {  	s10 =	sld [smem:$0x3FB9];
	_ =	sdelay $0x3  }
0x33: {  	p0 =	seq.s32 s10, $0x1;
	s10 =	sld [smem:$0x3FBB];
	_ =	sdelay $0x3  }
0x34: {  	[smem:$0x3FBB] =	sst s10  }
0x35: {  	s10 =	sld [smem:$0x3FBA];
	_ =	sdelay $0x3  }
0x36: {  	p1 =	seq.s32 s10, $0x1;
	s10 =	sld [smem:$0x3FBB];
	_ =	sdelay $0x3  }
0x37: {  	[smem:$0x3FBB] =	sst s10  }
0x38: {  	s10 =	sld [smem:$0x3FBC]  }
0x39: {  	_ = 	snop;
	(pc) =	sbr.ind lr, $3  }
0x3a: {  	_ = 	snop  }
0x3b: {  	_ = 	snop  }
0x3c: {  	p2 =	seq.s32 s10, $0x1;
	s10 =	sld [smem:$0x3FBB]  }
0x3d: {  	_ =	shalt  }
0x3e: {  	_ =	shalt  }
0x3f: {  	_ =	shalt  }
0x40: {  	_ =	shalt  }
0x41: {  	_ =	shalt  }
0x42: {  	_ =	shalt  }
0x43: {  	_ =	shalt  }
0x44: {  	_ =	shalt  }
0x45: {  	_ =	shalt  }
0x46: {  	_ =	shalt  }
0x47: {  	_ =	shalt  }
0x48: {  	_ =	shalt  }
0x49: {  	_ =	shalt  }
0x4a: {  	_ =	shalt  }
0x4b: {  	_ =	shalt  }
0x4c: {  	_ =	shalt  }
0x4d: {  	_ =	shalt  }
0x4e: {  	_ =	shalt  }
0x4f: {  	_ =	shalt  }
0x50: {  	_ =	shalt  }
0x51: {  	_ =	shalt  }
0x52: {  	_ =	shalt  }
0x53: {  	_ =	shalt  }
0x54: {  	_ =	shalt  }
0x55: {  	_ =	shalt  }
0x56: {  	_ =	shalt  }
0x57: {  	_ =	shalt  }
0x58: {  	_ =	shalt  }
0x59: {  	_ =	shalt  }
0x5a: {  	_ =	shalt  }
0x5b: {  	_ =	shalt  }
0x5c: {  	_ =	shalt  }
0x5d: {  	_ =	shalt  }
0x5e: {  	_ =	shalt  }
0x5f: {  	_ =	shalt  }
0x60: {  	_ =	shalt  }
0x61: {  	_ =	shalt  }
0x62: {  	_ =	shalt  }
0x63: {  	_ =	shalt  }
0x64: {  	_ =	shalt  }
0x65: {  	_ =	shalt  }
0x66: {  	_ =	shalt  }
0x67: {  	_ =	shalt  }
0x68: {  	_ =	shalt  }
0x69: {  	_ =	shalt  }
0x6a: {  	_ =	shalt  }
0x6b: {  	_ =	shalt  }
0x6c: {  	_ =	shalt  }
0x6d: {  	_ =	shalt  }
0x6e: {  	_ =	shalt  }
0x6f: {  	_ =	shalt  }
0x70: {  	_ =	shalt  }
0x71: {  	_ =	shalt  }
0x72: {  	_ =	shalt  }
0x73: {  	_ =	shalt  }
0x74: {  	_ =	shalt  }
0x75: {  	_ =	shalt  }
0x76: {  	_ =	shalt  }
0x77: {  	_ =	shalt  }
0x78: {  	_ =	shalt  }
0x79: {  	_ =	shalt  }
0x7a: {  	_ =	shalt  }
0x7b: {  	_ =	shalt  }
0x7c: {  	_ =	shalt  }
0x7d: {  	_ =	shalt  }
0x7e: {  	_ =	shalt  }
0x7f: {  	_ =	shalt  }
0x80: {  	_ =	shalt  }
0x81: {  	_ =	shalt  }
0x82: {  	_ =	shalt  }
0x83: {  	_ =	shalt  }
0x84: {  	_ =	shalt  }
0x85: {  	_ =	shalt  }
0x86: {  	_ =	shalt  }
0x87: {  	_ =	shalt  }
.Lfunc_end0:
.L_simem_size_0:
called_computation_lowered:
.L_overlay_start_0:
0x88: {  	s2 =	sld [smem:$0x3FD9]  }
0x89: {  	s3 =	sld [smem:$0x3FFE];
	_ =	sdelay $0x1  }
0x8a: {  	s1 =	srdreg.scid  }
0x8b: {  	s0 =	sand.u32 $0x1, s1  }
0x8c: {  	s18 =	sshll.u32 s0, $0xA;
	s2 =	sadd.s32 s3, s2  }
0x8d: {  	s2 =	sadd.s32 s2, s18  }
0x8e: {  	[smem:$0x3FC7] =	sst s2  }
0x8f: {  	_ = 	snop  }
0x90: {  	s2 =	sld [smem:$0x3FC9]  }
0x91: {  	s19 =	sld [smem:$0x3FD0];
	(tm) =	ssettm $0x1  }
0x92: {  	s4 =	sld [smem:$0x3FFB];
	_ =	sdelay $0x3  }
0x93: {  	_ =	strace s4  }
0x94: {  	s4 =	sld [smem:$0x3FFC];
	_ =	sdelay $0x3  }
0x95: {  	_ =	strace s4  }
0x96: {  	s4 =	sld [smem:$0x3FFD];
	_ =	sdelay $0x3  }
0x97: {  	_ =	strace s4  }
0x98: {  	_ =	strace $0x8FFFFFFF  }
0x99: {  	s20 =	sld [smem:$0x3FDB];
	_ =	sdelay $0x1  }
0x9a: {  	s5 =	simm.s32 $_scs_section_size  }
0x9b: {  	s6 =	simm.s32 $_size__tile_overlayer_lowered;
	s7 =	simm.s32 $_tile_overlayer_lowered  }
0x9c: {  	s23 =	simm.s32 $0x1BFF;
	s22 =	sshll.u32 s7, $0x1;
	s4 =	sadd.s32 s5, s20  }
0x9d: {  	s8 =	simm.s32 $0x0;
	s21 =	sshll.u32 s6, $0x1;
	s6 =	sadd.s32 s22, s4  }
0x9e: {  	[timem:s8], [sflag:s23] =	dma.local [hbm:s6], s21  }
0x9f: {  	_ =	swait.ge [sflag:s23], s21  }
0xa0: {  	s5 =	ssub.s32 $0x0, s21;
	[sflag:s23] =	ssyncset.done $0x0  }
0xa1: {  	[sflag:s23] =	ssyncadd.s32 s5;
	_ =	sdelay $0x1  }
0xa2: {  	s24 =	simm.s32 $0x1B8B  }
0xa3: {  	_ =	swait.ge [sflag:s24], $0x1  }
0xa4: {  	[sflag:s24] =	ssyncset.done $0x0  }
0xa5: {  	s25 =	simm.s32 $0x1B8E;
	[sflag:s24] =	ssyncadd.s32 $0xFFFFFFFF  }
0xa6: {  	s26 =	simm.s32 $execute0_lowered;
	[smem:$0x3FD2] =	sst s25  }
0xa7: {  	s5 =	sshll.u32 s26, $0x1;
	_ =	strace $0x80000046;
	[dreg:$0x1] =	wrdreg $0xFFFFFFFF  }
0xa8: {  	s28 =	simm.s32 $_size_execute0_lowered;
	s4 =	sadd.s32 s4, s5;
	[dreg:$0x0] =	wrdreg $0x0  }
0xa9: {  	s5 =	sshll.u32 s28, $0x1;
	[dreg:$0x2] =	wrdreg s4  }
0xaa: {  	[dreg:$0x3] =	wrdreg s5  }
0xab: {  	[dreg:$0x4] =	wrdreg $0xC0  }
0xac: {  	_ =	task [dreg:s8], $0x5FFFF  }
0xad: {  	[dreg:$0x1] =	wrdreg $0xFFFFFFFF  }
0xae: {  	[dreg:$0x0] =	wrdreg $0x60  }
0xaf: {  	[dreg:$0x2] =	wrdreg s2  }
0xb0: {  	[dreg:$0x3] =	wrdreg s19  }
0xb1: {  	[dreg:$0x4] =	wrdreg $0x9  }
0xb2: {  	_ =	task.clear_ibuf [dreg:s8], $0x5FFFF;
	_ =	strace $0x90000046  }
0xb3: {  	s29 =	simm.s32 $0x9;
	_ =	strace $0x80000048  }
0xb4: {  	_ =	swait.ge [sflag:s29], $0x1  }
0xb5: {  	[sflag:s29] =	ssyncadd.s32 $0xFFFFFFFF  }
0xb6: {  	_ =	strace $0x90000048  }
0xb7: {  	_ =	sfence  }
0xb8: {  	s30 =	sld [smem:$0x0];
	_ =	sdelay $0x2  }
0xb9: {  	s31 =	sshll.u32 s1, $0xD;
	s1 =	sshrl.u32 s1, $0x2  }
0xba: {  	s3 =	sand.u32 $0x4000, s31;
	s1 =	sadd.s32 s1, s30  }
0xbb: {  	s0 =	sor.u32 s3, s0;
	s1 =	sshll.u32 s1, $0x11  }
0xbc: {  	s0 =	sor.u32 s1, s0  }
0xbd: {  	s0 =	sadd.s32 $0x8F2B, s0  }
0xbe: {  	[sflag:s0] =	ssyncadd.remote.s32 $0x1  }
0xbf: {  	_ =	sfence.sel $0xFFFF  }
0xc0: {  	[dreg:$0x0] =	wrdreg $0xFFFFFFFF;
	(pc) =	sbr.abs _section_cstart, $3  }
0xc1: {  	[dreg:$0x1] =	wrdreg $0xFFFFFFFF  }
0xc2: {  	_ =	task.clear_ibuf [dreg:s8], $0x2FFFF;
	_ =	strace $0x9FFFFFFF  }
0xc3: {  	(tm) =	ssettm $0x7FFFFFFF  }
tec
execute0_lowered:
.L_overlay_start_1:
0x0: {  	(tag) =	ssettag $0x1  }
0x1: {  	s1 =	srdreg.scid;
	s4 =	rddreg [dreg:$0x0]  }
0x2: {  	s0 =	stileid.u32;
	s7 =	rddreg [dreg:$0x1];
	s2 =	simm.s32 $0x0  }
0x3: {  	s10 =	simm.s32 $0xC800;
	s11 =	simm.s32 $0x2;
	s13 =	simm.s32 $0x3  }
0x4: {  	s3 =	sand.u32 $0x1, s1;
	s30 =	sshll.u32 s0, $0x1;
	s1 =	rddreg [dreg:$0x2]  }
0x5: {  	s14 =	simm.s32 $0x0;
	[smem:$0x7FF] =	sst s2;
	s12 =	sor.u32 s3, s30  }
0x6: {  	s3 =	ssub.s32 $0x2, s3;
	_ =	strace $0x80000047;
	s5 =	smul.u32 $0xC800, s12  }
.Ltmp0:
0x7: {  	s6 =	sshrl.u32 s3, $0x1;
	s31 =	sshll.u32 s12, $0x4;
	(pc) =	sbr.rel .LBB2_1-.Ltmp0, $4  }
0x8: {  	p0 =	sgt.u32 s12, $0x1C;
	s12 =	simm.s32 $0x19000;
	s5 =	sshrl.u32 s5, $0x3  }
0x9: {  	s9 =	ssub.s32 s3, s6;
	s7 =	sadd.s32 s7, s31;
	s8 =	sadd.s32 s4, s5  }
0xa: {  	s3 =	sadd.s32 $0xC3500, s8;
	s4 =	sadd.s32 $0xF5500, s8;
	s5 =	sadd.s32 $0x127500, s8  }
0xb: {  	s6 =	sadd.s32 $0x159500, s8;
	s8 =	smax.u32 s9, $0x1;
	s9 =	simm.s32 $0x1  }
.LBB2_10:
0xc: {  	v8 =	vmul.f32 $1.442695020e+00, v8;
	_ =	sdelay $0x1  }
0xd: {  	v16 =	vld [tilespmem:s15+$0xC870];
	(erf) = vpow2.f32 v14;
	v43 =	vpop (erf)  }
0xe: {  	v17 =	vld [tilespmem:s15+$0xC800];
	v9 =	vmul.f32 $1.442695020e+00, v9;
	(erf) = vpow2.f32 v15;
	v44 =	vpop (erf)  }
0xf: {  	v18 =	vld [tilespmem:s15+$0xC810];
	v10 =	vmul.f32 $1.442695020e+00, v10;
	(erf) = vpow2.f32 v8;
	v8 =	vpop (erf)  }
0x10: {  	v19 =	vld [tilespmem:s15+$0xC820];
	v11 =	vmul.f32 $1.442695020e+00, v11;
	(erf) = vpow2.f32 v9;
	v45 =	vpop (erf)  }
0x11: {  	v20 =	vld [tilespmem:s15+$0xC830];
	v12 =	vmul.f32 $1.442695020e+00, v12;
	(erf) = vpow2.f32 v10;
	v46 =	vpop (erf)  }
0x12: {  	v21 =	vld [tilespmem:s15+$0xC840];
	v16 =	vmul.f32 $1.442695020e+00, v16;
	(erf) = vpow2.f32 v11;
	v47 =	vpop (erf)  }
0x13: {  	v22 =	vld [tilespmem:s15+$0xC850];
	v17 =	vmul.f32 $1.442695020e+00, v17;
	(erf) = vpow2.f32 v12;
	v48 =	vpop (erf)  }
0x14: {  	v23 =	vld [tilespmem:s15+$0xC860];
	v18 =	vmul.f32 $1.442695020e+00, v18;
	(erf) = vpow2.f32 v16;
	v49 =	vpop (erf)  }
0x15: {  	v19 =	vmul.f32 $1.442695020e+00, v19;
	(erf) = vpow2.f32 v17;
	v50 =	vpop (erf)  }
0x16: {  	v20 =	vmul.f32 $1.442695020e+00, v20;
	(erf) = vpow2.f32 v18;
	v51 =	vpop (erf)  }
0x17: {  	v21 =	vmul.f32 $1.442695020e+00, v21;
	(erf) = vpow2.f32 v19;
	v52 =	vpop (erf)  }
0x18: {  	v22 =	vmul.f32 $1.442695020e+00, v22;
	(erf) = vpow2.f32 v20;
	v53 =	vpop (erf)  }
0x19: {  	v0 =	vadd.f32 v13, v0;
	v54 =	vmul.f32 $1.442695020e+00, v23;
	(erf) = vpow2.f32 v21;
	v55 =	vpop (erf)  }
0x1a: {  	v1 =	vadd.f32 v43, v1;
	v2 =	vadd.f32 v44, v2;
	(erf) = vpow2.f32 v22;
	v56 =	vpop (erf)  }
0x1b: {  	v3 =	vadd.f32 v8, v3;
	v4 =	vadd.f32 v45, v4;
	(erf) = vpow2.f32 v54;
	v8 =	vpop (erf)  }
0x1c: {  	v5 =	vadd.f32 v46, v5;
	v6 =	vadd.f32 v47, v6;
	v57 =	vpop (erf)  }
0x1d: {  	v7 =	vadd.f32 v48, v7;
	v0 =	vadd.f32 v49, v0;
	v58 =	vpop (erf)  }
0x1e: {  	v1 =	vadd.f32 v50, v1;
	v2 =	vadd.f32 v51, v2;
	v59 =	vpop (erf)  }
0x1f: {  	v3 =	vadd.f32 v52, v3;
	v4 =	vadd.f32 v53, v4;
	v60 =	vpop (erf)  }
0x20: {  	v5 =	vadd.f32 v55, v5;
	v6 =	vadd.f32 v56, v6;
	v61 =	vpop (erf)  }
0x21: {  	v7 =	vadd.f32 v8, v7;
	v0 =	vadd.f32 v57, v0;
	v8 =	vpop (erf)  }
0x22: {  	v1 =	vadd.f32 v58, v1;
	v2 =	vadd.f32 v59, v2;
	v62 =	vpop (erf)  }
0x23: {  	v3 =	vadd.f32 v60, v3;
	v4 =	vadd.f32 v61, v4;
	v63 =	vpop (erf)  }
0x24: {  	v5 =	vadd.f32 v8, v5;
	v6 =	vadd.f32 v62, v6;
	v8 =	vpop (erf)  }
0x25: {  	v7 =	vadd.f32 v63, v7;
	v0 =	vadd.f32 v8, v0  }
.LBB2_11:
0x26: {  	[tilespmem:$0x19000] =	vst v2  }
0x27: {  	[tilespmem:$0x19010] =	vst v3  }
0x28: {  	[tilespmem:$0x19020] =	vst v4  }
0x29: {  	[tilespmem:$0x19030] =	vst v5  }
0x2a: {  	[tilespmem:$0x19040] =	vst v6  }
0x2b: {  	[tilespmem:$0x19070] =	vst v1;
	s14 =	sadd.s32 $0x1, s14  }
0x2c: {  	[tilespmem:$0x19050] =	vst v7;
	p1 =	sne.s32 s14, s8  }
.Ltmp1:
0x2d: {  	[tilespmem:$0x19060] =	vst v0;
	(pc) =	sbr.rel @!p1 .LBB2_12-.Ltmp1, $4  }
0x2e: {  	[hbm4b:s7+s2] =	stream.linear.scatter [tilespmem:s12], [sflag:$0x3], $0x80, $0x38;
	[tilespmem:$0x19080] =	vst v63  }
0x2f: {  	_ =	swait.ge [sflag:s13], $0x80  }
0x30: {  	[sflag:s13] =	ssyncset.done $0x0  }
0x31: {  	[sflag:s13] =	ssyncadd.s32 $0xFFFFFF80  }
.LBB2_1:
0x32: {  	[tilespmem:s2], [sflag:$0x1] =	stream.linear.gather [hbm4b:s3+s2], $0xC800, $0x38;
	[tilespmem:$0x19080] =	vst v63  }
0x33: {  	_ =	swait.ge [sflag:s9], $0xC800  }
0x34: {  	[sflag:s9] =	ssyncset.done $0x0  }
0x35: {  	s15 =	simm.s32 $0x0;
	[sflag:s9] =	ssyncadd.s32 $0xFFFF3800  }
0x36: {  	[tilespmem:s10], [sflag:$0x2] =	stream.linear.gather [hbm4b:s4+s2], $0xC800, $0x38;
	[tilespmem:$0x19080] =	vst v63  }
0x37: {  	v0 =	vld [tilespmem:s15+$0x70]  }
0x38: {  	v1 =	vld [tilespmem:s15+$0x0]  }
0x39: {  	v2 =	vld [tilespmem:s15+$0x10]  }
0x3a: {  	v3 =	vld [tilespmem:s15+$0x20]  }
0x3b: {  	v4 =	vld [tilespmem:s15+$0x30]  }
0x3c: {  	v5 =	vld [tilespmem:s15+$0x40]  }
0x3d: {  	v6 =	vld [tilespmem:s15+$0x50];
	v0 =	vmul.f32 $1.442695020e+00, v0  }
0x3e: {  	s16 =	simm.s32 $0x80;
	v7 =	vld [tilespmem:s15+$0x60];
	v1 =	vmul.f32 $1.442695020e+00, v1;
	v2 =	vmul.f32 $1.442695020e+00, v2  }
0x3f: {  	v3 =	vmul.f32 $1.442695020e+00, v3;
	(erf) = vpow2.f32 v0;
	v0 =	vld [tilespmem:s16+$0x70]  }
0x40: {  	v4 =	vmul.f32 $1.442695020e+00, v4;
	(erf) = vpow2.f32 v1;
	v1 =	vld [tilespmem:s16+$0x0]  }
0x41: {  	v5 =	vmul.f32 $1.442695020e+00, v5;
	(erf) = vpow2.f32 v2;
	v2 =	vld [tilespmem:s16+$0x10]  }
0x42: {  	v6 =	vmul.f32 $1.442695020e+00, v6;
	(erf) = vpow2.f32 v3;
	v3 =	vld [tilespmem:s16+$0x20]  }
0x43: {  	v7 =	vmul.f32 $1.442695020e+00, v7;
	(erf) = vpow2.f32 v4;
	v4 =	vld [tilespmem:s16+$0x30]  }
0x44: {  	(erf) = vpow2.f32 v5;
	v5 =	vld [tilespmem:s16+$0x40];
	v0 =	vmul.f32 $1.442695020e+00, v0  }
0x45: {  	(erf) = vpow2.f32 v6;
	v1 =	vmul.f32 $1.442695020e+00, v1;
	v6 =	vld [tilespmem:s16+$0x50]  }
0x46: {  	s17 =	simm.s32 $0x100;
	(erf) = vpow2.f32 v7;
	v2 =	vmul.f32 $1.442695020e+00, v2;
	v7 =	vld [tilespmem:s16+$0x60]  }
0x47: {  	v8 =	vld [tilespmem:s17+$0x70];
	(erf) = vpow2.f32 v0;
	v3 =	vmul.f32 $1.442695020e+00, v3  }
0x48: {  	v12 =	vld [tilespmem:s17+$0x0];
	(erf) = vpow2.f32 v1;
	v4 =	vmul.f32 $1.442695020e+00, v4  }
0x49: {  	v1 =	vpop (erf);
	(erf) = vpow2.f32 v2;
	v5 =	vmul.f32 $1.442695020e+00, v5  }
0x4a: {  	v2 =	vpop (erf);
	(erf) = vpow2.f32 v3;
	v6 =	vmul.f32 $1.442695020e+00, v6  }
0x4b: {  	v13 =	vld [tilespmem:s17+$0x10];
	v3 =	vpop (erf);
	(erf) = vpow2.f32 v4;
	v7 =	vmul.f32 $1.442695020e+00, v7  }
0x4c: {  	v9 =	vld [tilespmem:s17+$0x20];
	v8 =	vmul.f32 $1.442695020e+00, v8;
	v0 =	vimm.f32 $0.0e+00;
	v4 =	vpop (erf);
	(erf) = vpow2.f32 v5  }
0x4d: {  	v10 =	vld [tilespmem:s17+$0x30];
	v14 =	vmul.f32 $1.442695020e+00, v12;
	v1 =	vadd.f32 v1, v0;
	v5 =	vpop (erf);
	(erf) = vpow2.f32 v6  }
0x4e: {  	v11 =	vld [tilespmem:s17+$0x40];
	v2 =	vadd.f32 v2, v0;
	v3 =	vadd.f32 v3, v0;
	v6 =	vpop (erf);
	(erf) = vpow2.f32 v7  }
0x4f: {  	v12 =	vld [tilespmem:s17+$0x50];
	v4 =	vadd.f32 v4, v0;
	v5 =	vadd.f32 v5, v0;
	v7 =	vpop (erf);
	(erf) = vpow2.f32 v8  }
0x50: {  	s15 =	simm.s32 $0x180;
	v15 =	vmul.f32 $1.442695020e+00, v13;
	v13 =	vld [tilespmem:s17+$0x60];
	s16 =	simm.s32 $0x800;
	v6 =	vadd.f32 v6, v0;
	v7 =	vadd.f32 v7, v0;
	v8 =	vpop (erf)  }
.LBB2_2:
0x51: {  	p1 =	sne.s32 s16, $0x31E00;
	v16 =	vld [tilespmem:s15+$0x70];
	v9 =	vmul.f32 $1.442695020e+00, v9;
	(erf) = vpow2.f32 v14;
	v14 =	vpop (erf);
	v0 =	vadd.f32 v8, v0  }
0x52: {  	v8 =	vld [tilespmem:s15+$0x0];
	v10 =	vmul.f32 $1.442695020e+00, v10;
	(erf) = vpow2.f32 v15;
	v1 =	vadd.f32 v14, v1;
	v14 =	vpop (erf)  }
0x53: {  	v15 =	vld [tilespmem:s15+$0x10];
	v11 =	vmul.f32 $1.442695020e+00, v11;
	(erf) = vpow2.f32 v9;
	v2 =	vadd.f32 v14, v2;
	v14 =	vpop (erf)  }
.Ltmp2:
0x54: {  	v9 =	vld [tilespmem:s15+$0x20];
	v12 =	vmul.f32 $1.442695020e+00, v12;
	(erf) = vpow2.f32 v10;
	v3 =	vadd.f32 v14, v3;
	v14 =	vpop (erf);
	(pc) =	sbr.rel @p1 .LBB2_2-.Ltmp2, $4  }
0x55: {  	v10 =	vld [tilespmem:s15+$0x30];
	v13 =	vmul.f32 $1.442695020e+00, v13;
	(erf) = vpow2.f32 v11;
	v4 =	vadd.f32 v14, v4;
	v14 =	vpop (erf)  }
0x56: {  	v11 =	vld [tilespmem:s15+$0x40];
	v16 =	vmul.f32 $1.442695020e+00, v16;
	(erf) = vpow2.f32 v12;
	v5 =	vadd.f32 v14, v5;
	v17 =	vpop (erf)  }
0x57: {  	v14 =	vmul.f32 $1.442695020e+00, v8;
	v12 =	vld [tilespmem:s15+$0x50];
	(erf) = vpow2.f32 v13;
	v6 =	vadd.f32 v17, v6;
	v8 =	vpop (erf)  }
0x58: {  	v15 =	vmul.f32 $1.442695020e+00, v15;
	v13 =	vld [tilespmem:s15+$0x60];
	s15 =	sshra.s32 s16, $0x2;
	s16 =	sadd.s32 $0x200, s16;
	(erf) = vpow2.f32 v16;
	v7 =	vadd.f32 v8, v7;
	v8 =	vpop (erf)  }
0x59: {  	v16 =	vld [tilespmem:s15+$0x70];
	v9 =	vmul.f32 $1.442695020e+00, v9  }
0x5a: {  	v17 =	vld [tilespmem:s15+$0x0];
	v10 =	vmul.f32 $1.442695020e+00, v10  }
0x5b: {  	(erf) = vpow2.f32 v14;
	v14 =	vpop (erf);
	v11 =	vmul.f32 $1.442695020e+00, v11  }
0x5c: {  	(erf) = vpow2.f32 v15;
	v15 =	vpop (erf);
	v12 =	vmul.f32 $1.442695020e+00, v12  }
0x5d: {  	v18 =	vld [tilespmem:s15+$0x10];
	(erf) = vpow2.f32 v9;
	v9 =	vpop (erf);
	v13 =	vmul.f32 $1.442695020e+00, v13  }
0x5e: {  	v19 =	vld [tilespmem:s15+$0x20];
	(erf) = vpow2.f32 v10;
	v10 =	vpop (erf);
	v16 =	vmul.f32 $1.442695020e+00, v16  }
0x5f: {  	v20 =	vld [tilespmem:s15+$0x30];
	(erf) = vpow2.f32 v11;
	v17 =	vmul.f32 $1.442695020e+00, v17;
	v11 =	vpop (erf)  }
0x60: {  	v21 =	vld [tilespmem:s15+$0x40];
	(erf) = vpow2.f32 v12;
	v12 =	vpop (erf)  }
0x61: {  	v22 =	vld [tilespmem:s15+$0x50];
	(erf) = vpow2.f32 v13;
	v13 =	vpop (erf)  }
0x62: {  	v23 =	vld [tilespmem:s15+$0x60];
	v18 =	vmul.f32 $1.442695020e+00, v18;
	(erf) = vpow2.f32 v16;
	v16 =	vpop (erf)  }
0x63: {  	v19 =	vmul.f32 $1.442695020e+00, v19;
	(erf) = vpow2.f32 v17;
	v17 =	vpop (erf)  }
0x64: {  	v20 =	vmul.f32 $1.442695020e+00, v20;
	(erf) = vpow2.f32 v18;
	v58 =	vpop (erf)  }
0x65: {  	v21 =	vmul.f32 $1.442695020e+00, v21;
	(erf) = vpow2.f32 v19;
	v59 =	vpop (erf)  }
0x66: {  	v22 =	vmul.f32 $1.442695020e+00, v22;
	(erf) = vpow2.f32 v20;
	v60 =	vpop (erf)  }
0x67: {  	v23 =	vmul.f32 $1.442695020e+00, v23;
	(erf) = vpow2.f32 v21;
	v61 =	vpop (erf)  }
0x68: {  	(erf) = vpow2.f32 v22;
	v62 =	vpop (erf)  }
0x69: {  	(erf) = vpow2.f32 v23;
	v63 =	vpop (erf)  }
0x6a: {  	v24 =	vpop (erf)  }
0x6b: {  	v25 =	vpop (erf)  }
0x6c: {  	v26 =	vpop (erf)  }
0x6d: {  	v27 =	vpop (erf)  }
0x6e: {  	v28 =	vpop (erf)  }
0x6f: {  	v29 =	vpop (erf)  }
0x70: {  	v30 =	vpop (erf)  }
0x71: {  	v31 =	vpop (erf)  }
0x72: {  	v32 =	vpop (erf)  }
0x73: {  	_ =	swait.ge [sflag:s11], $0xC800  }
0x74: {  	[sflag:s11] =	ssyncset.done $0x0  }
0x75: {  	s30 =	simm.s32 $0x0;
	s31 =	simm.s32 $0x0;
	[sflag:s11] =	ssyncadd.s32 $0xFFFF3800  }
0x76: {  	[tilespmem:s30], [sflag:$0x1] =	stream.linear.gather [hbm4b:s5+s30], $0xC800, $0x38;
	[tilespmem:$0x19080] =	vst v63  }
0x77: {  	v0 =	vadd.f32 v8, v0;
	v8 =	vld [tilespmem:s31+$0xC870]  }
0x78: {  	v3 =	vadd.f32 v9, v3;
	v9 =	vld [tilespmem:s31+$0xC800]  }
0x79: {  	v4 =	vadd.f32 v10, v4;
	v10 =	vld [tilespmem:s31+$0xC810]  }
0x7a: {  	v5 =	vadd.f32 v11, v5;
	v11 =	vld [tilespmem:s31+$0xC820]  }
0x7b: {  	v6 =	vadd.f32 v12, v6;
	v12 =	vld [tilespmem:s31+$0xC830]  }
0x7c: {  	v1 =	vadd.f32 v14, v1;
	v7 =	vadd.f32 v13, v7;
	v13 =	vld [tilespmem:s31+$0xC840];
	v8 =	vmul.f32 $1.442695020e+00, v8  }
0x7d: {  	v2 =	vadd.f32 v15, v2;
	v0 =	vadd.f32 v16, v0;
	v14 =	vld [tilespmem:s31+$0xC850];
	v9 =	vmul.f32 $1.442695020e+00, v9  }
0x7e: {  	s16 =	simm.s32 $0x80;
	v1 =	vadd.f32 v17, v1;
	v10 =	vmul.f32 $1.442695020e+00, v10;
	(erf) = vpow2.f32 v8;
	v8 =	vld [tilespmem:s31+$0xC860]  }
0x7f: {  	v2 =	vadd.f32 v58, v2;
	v11 =	vmul.f32 $1.442695020e+00, v11;
	(erf) = vpow2.f32 v9;
	v9 =	vld [tilespmem:s16+$0xC870]  }
0x80: {  	v3 =	vadd.f32 v59, v3;
	v12 =	vmul.f32 $1.442695020e+00, v12;
	(erf) = vpow2.f32 v10;
	v10 =	vld [tilespmem:s16+$0xC800]  }
0x81: {  	v4 =	vadd.f32 v60, v4;
	v13 =	vmul.f32 $1.442695020e+00, v13;
	(erf) = vpow2.f32 v11;
	v11 =	vld [tilespmem:s16+$0xC810]  }
0x82: {  	v5 =	vadd.f32 v61, v5;
	v14 =	vmul.f32 $1.442695020e+00, v14;
	(erf) = vpow2.f32 v12;
	v12 =	vld [tilespmem:s16+$0xC820]  }
0x83: {  	v6 =	vadd.f32 v62, v6;
	(erf) = vpow2.f32 v13;
	v13 =	vld [tilespmem:s16+$0xC830];
	v8 =	vmul.f32 $1.442695020e+00, v8  }
0x84: {  	v7 =	vadd.f32 v63, v7;
	(erf) = vpow2.f32 v14;
	v14 =	vld [tilespmem:s16+$0xC840];
	v9 =	vmul.f32 $1.442695020e+00, v9  }
0x85: {  	v0 =	vadd.f32 v24, v0;
	v10 =	vmul.f32 $1.442695020e+00, v10;
	(erf) = vpow2.f32 v8;
	v8 =	vld [tilespmem:s16+$0xC850]  }
0x86: {  	s17 =	simm.s32 $0x100;
	v1 =	vadd.f32 v25, v1;
	v2 =	vadd.f32 v26, v2;
	v15 =	vld [tilespmem:s16+$0xC860];
	v11 =	vmul.f32 $1.442695020e+00, v11  }
0x87: {  	v3 =	vadd.f32 v27, v3;
	v16 =	vld [tilespmem:s17+$0xC870];
	(erf) = vpow2.f32 v9;
	v9 =	vmul.f32 $1.442695020e+00, v12  }
0x88: {  	v4 =	vadd.f32 v28, v4;
	(erf) = vpow2.f32 v10;
	v13 =	vmul.f32 $1.442695020e+00, v13  }
0x89: {  	v5 =	vadd.f32 v29, v5;
	(erf) = vpow2.f32 v11;
	v10 =	vpop (erf);
	v11 =	vmul.f32 $1.442695020e+00, v14  }
0x8a: {  	v12 =	vld [tilespmem:s17+$0xC800];
	(erf) = vpow2.f32 v9;
	v1 =	vadd.f32 v10, v1;
	v10 =	vpop (erf);
	v8 =	vmul.f32 $1.442695020e+00, v8  }
0x8b: {  	v17 =	vld [tilespmem:s17+$0xC810];
	v15 =	vmul.f32 $1.442695020e+00, v15;
	(erf) = vpow2.f32 v13;
	v2 =	vadd.f32 v10, v2;
	v10 =	vpop (erf)  }
0x8c: {  	v6 =	vadd.f32 v30, v6;
	v16 =	vmul.f32 $1.442695020e+00, v16;
	v9 =	vld [tilespmem:s17+$0xC820];
	(erf) = vpow2.f32 v11;
	v13 =	vpop (erf)  }
0x8d: {  	v3 =	vadd.f32 v10, v3;
	v10 =	vld [tilespmem:s17+$0xC830];
	(erf) = vpow2.f32 v8;
	v4 =	vadd.f32 v13, v4;
	v13 =	vpop (erf)  }
0x8e: {  	v7 =	vadd.f32 v31, v7;
	v0 =	vadd.f32 v32, v0;
	v11 =	vld [tilespmem:s17+$0xC840];
	(erf) = vpow2.f32 v15;
	v8 =	vpop (erf)  }
0x8f: {  	v14 =	vmul.f32 $1.442695020e+00, v12;
	v12 =	vld [tilespmem:s17+$0xC850];
	v6 =	vadd.f32 v8, v6;
	v8 =	vpop (erf);
	(erf) = vpow2.f32 v16  }
0x90: {  	s15 =	simm.s32 $0x180;
	s16 =	simm.s32 $0x800;
	v15 =	vmul.f32 $1.442695020e+00, v17;
	v5 =	vadd.f32 v13, v5;
	v13 =	vld [tilespmem:s17+$0xC860];
	v7 =	vadd.f32 v8, v7;
	v8 =	vpop (erf)  }
.LBB2_4:
0x91: {  	p1 =	sne.s32 s16, $0x31E00;
	v16 =	vld [tilespmem:s15+$0xC870];
	v9 =	vmul.f32 $1.442695020e+00, v9;
	(erf) = vpow2.f32 v14;
	v14 =	vpop (erf);
	v0 =	vadd.f32 v8, v0  }
0x92: {  	v8 =	vld [tilespmem:s15+$0xC800];
	v10 =	vmul.f32 $1.442695020e+00, v10;
	(erf) = vpow2.f32 v15;
	v1 =	vadd.f32 v14, v1;
	v14 =	vpop (erf)  }
0x93: {  	v15 =	vld [tilespmem:s15+$0xC810];
	v11 =	vmul.f32 $1.442695020e+00, v11;
	(erf) = vpow2.f32 v9;
	v2 =	vadd.f32 v14, v2;
	v14 =	vpop (erf)  }
.Ltmp3:
0x94: {  	v9 =	vld [tilespmem:s15+$0xC820];
	v12 =	vmul.f32 $1.442695020e+00, v12;
	(erf) = vpow2.f32 v10;
	v3 =	vadd.f32 v14, v3;
	v14 =	vpop (erf);
	(pc) =	sbr.rel @p1 .LBB2_4-.Ltmp3, $4  }
0x95: {  	v10 =	vld [tilespmem:s15+$0xC830];
	v13 =	vmul.f32 $1.442695020e+00, v13;
	(erf) = vpow2.f32 v11;
	v4 =	vadd.f32 v14, v4;
	v14 =	vpop (erf)  }
0x96: {  	v11 =	vld [tilespmem:s15+$0xC840];
	v16 =	vmul.f32 $1.442695020e+00, v16;
	(erf) = vpow2.f32 v12;
	v5 =	vadd.f32 v14, v5;
	v17 =	vpop (erf)  }
0x97: {  	v14 =	vmul.f32 $1.442695020e+00, v8;
	v12 =	vld [tilespmem:s15+$0xC850];
	(erf) = vpow2.f32 v13;
	v6 =	vadd.f32 v17, v6;
	v8 =	vpop (erf)  }
0x98: {  	v15 =	vmul.f32 $1.442695020e+00, v15;
	v13 =	vld [tilespmem:s15+$0xC860];
	s15 =	sshra.s32 s16, $0x2;
	s16 =	sadd.s32 $0x200, s16;
	(erf) = vpow2.f32 v16;
	v7 =	vadd.f32 v8, v7;
	v8 =	vpop (erf)  }
0x99: {  	v16 =	vld [tilespmem:s15+$0xC870];
	v9 =	vmul.f32 $1.442695020e+00, v9  }
0x9a: {  	v17 =	vld [tilespmem:s15+$0xC800];
	v10 =	vmul.f32 $1.442695020e+00, v10  }
0x9b: {  	(erf) = vpow2.f32 v14;
	v14 =	vpop (erf);
	v11 =	vmul.f32 $1.442695020e+00, v11  }
0x9c: {  	(erf) = vpow2.f32 v15;
	v15 =	vpop (erf);
	v12 =	vmul.f32 $1.442695020e+00, v12  }
0x9d: {  	v18 =	vld [tilespmem:s15+$0xC810];
	(erf) = vpow2.f32 v9;
	v9 =	vpop (erf);
	v13 =	vmul.f32 $1.442695020e+00, v13  }
0x9e: {  	v19 =	vld [tilespmem:s15+$0xC820];
	(erf) = vpow2.f32 v10;
	v10 =	vpop (erf);
	v16 =	vmul.f32 $1.442695020e+00, v16  }
0x9f: {  	v20 =	vld [tilespmem:s15+$0xC830];
	(erf) = vpow2.f32 v11;
	v17 =	vmul.f32 $1.442695020e+00, v17;
	v11 =	vpop (erf)  }
0xa0: {  	v21 =	vld [tilespmem:s15+$0xC840];
	(erf) = vpow2.f32 v12;
	v12 =	vpop (erf)  }
0xa1: {  	v22 =	vld [tilespmem:s15+$0xC850];
	(erf) = vpow2.f32 v13;
	v13 =	vpop (erf)  }
0xa2: {  	v23 =	vld [tilespmem:s15+$0xC860];
	v18 =	vmul.f32 $1.442695020e+00, v18;
	(erf) = vpow2.f32 v16;
	v16 =	vpop (erf)  }
0xa3: {  	v19 =	vmul.f32 $1.442695020e+00, v19;
	(erf) = vpow2.f32 v17;
	v17 =	vpop (erf)  }
0xa4: {  	v20 =	vmul.f32 $1.442695020e+00, v20;
	(erf) = vpow2.f32 v18;
	v58 =	vpop (erf)  }
0xa5: {  	v21 =	vmul.f32 $1.442695020e+00, v21;
	(erf) = vpow2.f32 v19;
	v59 =	vpop (erf)  }
0xa6: {  	v22 =	vmul.f32 $1.442695020e+00, v22;
	(erf) = vpow2.f32 v20;
	v60 =	vpop (erf)  }
0xa7: {  	v23 =	vmul.f32 $1.442695020e+00, v23;
	(erf) = vpow2.f32 v21;
	v61 =	vpop (erf)  }
0xa8: {  	(erf) = vpow2.f32 v22;
	v62 =	vpop (erf)  }
0xa9: {  	(erf) = vpow2.f32 v23;
	v63 =	vpop (erf)  }
0xaa: {  	v24 =	vpop (erf)  }
0xab: {  	v25 =	vpop (erf)  }
0xac: {  	v26 =	vpop (erf)  }
0xad: {  	v27 =	vpop (erf)  }
0xae: {  	v28 =	vpop (erf)  }
0xaf: {  	v29 =	vpop (erf)  }
0xb0: {  	v30 =	vpop (erf)  }
0xb1: {  	v31 =	vpop (erf)  }
0xb2: {  	v32 =	vpop (erf)  }
0xb3: {  	_ =	swait.ge [sflag:s9], $0xC800  }
0xb4: {  	s15 =	simm.s32 @!p0 $0x0;
	[sflag:s9] =	ssyncset.done $0x0  }
0xb5: {  	s16 =	simm.s32 @!p0 $0xC800;
	s30 =	simm.s32 $0x0;
	[sflag:s9] =	ssyncadd.s32 $0xFFFF3800  }
0xb6: {  	[tilespmem:s16], [sflag:$0x2] =	stream.linear.gather @!p0 [hbm4b:s6+s15], $0xC800, $0x38;
	[tilespmem:$0x19080] =	vst v63  }
0xb7: {  	v0 =	vadd.f32 v8, v0;
	v8 =	vld [tilespmem:s30+$0x70]  }
0xb8: {  	v3 =	vadd.f32 v9, v3;
	v9 =	vld [tilespmem:s30+$0x0]  }
0xb9: {  	v4 =	vadd.f32 v10, v4;
	v10 =	vld [tilespmem:s30+$0x10]  }
0xba: {  	v5 =	vadd.f32 v11, v5;
	v11 =	vld [tilespmem:s30+$0x20]  }
0xbb: {  	v6 =	vadd.f32 v12, v6;
	v12 =	vld [tilespmem:s30+$0x30]  }
0xbc: {  	v7 =	vadd.f32 v13, v7;
	v13 =	vld [tilespmem:s30+$0x40];
	v8 =	vmul.f32 $1.442695020e+00, v8  }
0xbd: {  	v1 =	vadd.f32 v14, v1;
	v14 =	vld [tilespmem:s30+$0x50];
	v9 =	vmul.f32 $1.442695020e+00, v9  }
0xbe: {  	s31 =	simm.s32 $0x80;
	v2 =	vadd.f32 v15, v2;
	v10 =	vmul.f32 $1.442695020e+00, v10;
	(erf) = vpow2.f32 v8;
	v8 =	vld [tilespmem:s30+$0x60]  }
0xbf: {  	v0 =	vadd.f32 v16, v0;
	v11 =	vmul.f32 $1.442695020e+00, v11;
	(erf) = vpow2.f32 v9;
	v9 =	vld [tilespmem:s31+$0x70]  }
0xc0: {  	v1 =	vadd.f32 v17, v1;
	v12 =	vmul.f32 $1.442695020e+00, v12;
	(erf) = vpow2.f32 v10;
	v10 =	vld [tilespmem:s31+$0x0]  }
0xc1: {  	v2 =	vadd.f32 v58, v2;
	v13 =	vmul.f32 $1.442695020e+00, v13;
	(erf) = vpow2.f32 v11;
	v11 =	vld [tilespmem:s31+$0x10]  }
0xc2: {  	v3 =	vadd.f32 v59, v3;
	v14 =	vmul.f32 $1.442695020e+00, v14;
	(erf) = vpow2.f32 v12;
	v12 =	vld [tilespmem:s31+$0x20]  }
0xc3: {  	v4 =	vadd.f32 v60, v4;
	v5 =	vadd.f32 v61, v5;
	(erf) = vpow2.f32 v13;
	v13 =	vld [tilespmem:s31+$0x30]  }
0xc4: {  	v6 =	vadd.f32 v62, v6;
	v8 =	vmul.f32 $1.442695020e+00, v8;
	(erf) = vpow2.f32 v14  }
0xc5: {  	v7 =	vadd.f32 v63, v7;
	v15 =	vld [tilespmem:s31+$0x50];
	v9 =	vmul.f32 $1.442695020e+00, v9;
	v10 =	vmul.f32 $1.442695020e+00, v10  }
0xc6: {  	v0 =	vadd.f32 v24, v0;
	v14 =	vld [tilespmem:s31+$0x40];
	(erf) = vpow2.f32 v8;
	v8 =	vmul.f32 $1.442695020e+00, v11  }
0xc7: {  	s17 =	simm.s32 $0x100;
	v1 =	vadd.f32 v25, v1;
	v11 =	vld [tilespmem:s31+$0x60];
	(erf) = vpow2.f32 v9;
	v9 =	vmul.f32 $1.442695020e+00, v12  }
0xc8: {  	v2 =	vadd.f32 v26, v2;
	v16 =	vld [tilespmem:s17+$0x70];
	(erf) = vpow2.f32 v10;
	v13 =	vmul.f32 $1.442695020e+00, v13  }
0xc9: {  	v3 =	vadd.f32 v27, v3;
	v4 =	vadd.f32 v28, v4;
	(erf) = vpow2.f32 v8;
	v10 =	vpop (erf)  }
0xca: {  	v5 =	vadd.f32 v29, v5;
	v6 =	vadd.f32 v30, v6;
	v12 =	vld [tilespmem:s17+$0x0];
	(erf) = vpow2.f32 v9;
	v8 =	vpop (erf)  }
0xcb: {  	v1 =	vadd.f32 v10, v1;
	v10 =	vmul.f32 $1.442695020e+00, v14;
	v14 =	vmul.f32 $1.442695020e+00, v15;
	v9 =	vpop (erf)  }
0xcc: {  	v17 =	vld [tilespmem:s17+$0x10];
	(erf) = vpow2.f32 v13;
	v2 =	vadd.f32 v8, v2;
	v15 =	vmul.f32 $1.442695020e+00, v11;
	v13 =	vpop (erf)  }
0xcd: {  	v8 =	vld [tilespmem:s17+$0x20];
	(erf) = vpow2.f32 v10;
	v4 =	vadd.f32 v13, v4;
	v13 =	vmul.f32 $1.442695020e+00, v16  }
0xce: {  	v7 =	vadd.f32 v31, v7;
	v3 =	vadd.f32 v9, v3;
	v9 =	vld [tilespmem:s17+$0x30];
	v11 =	vpop (erf);
	(erf) = vpow2.f32 v14  }
0xcf: {  	v0 =	vadd.f32 v32, v0;
	v10 =	vld [tilespmem:s17+$0x40];
	v14 =	vmul.f32 $1.442695020e+00, v12;
	v16 =	vpop (erf);
	(erf) = vpow2.f32 v15  }
0xd0: {  	v5 =	vadd.f32 v11, v5;
	v11 =	vld [tilespmem:s17+$0x50];
	v6 =	vadd.f32 v16, v6;
	v16 =	vpop (erf);
	(erf) = vpow2.f32 v13  }
0xd1: {  	s15 =	simm.s32 $0x180;
	s16 =	simm.s32 $0x800;
	v12 =	vld [tilespmem:s17+$0x60];
	v15 =	vmul.f32 $1.442695020e+00, v17;
	v7 =	vadd.f32 v16, v7;
	v13 =	vpop (erf)  }
.LBB2_6:
0xd2: {  	p1 =	sne.s32 s16, $0x31E00;
	v16 =	vld [tilespmem:s15+$0x70];
	v8 =	vmul.f32 $1.442695020e+00, v8;
	(erf) = vpow2.f32 v14;
	v14 =	vpop (erf);
	v0 =	vadd.f32 v13, v0  }
0xd3: {  	v13 =	vld [tilespmem:s15+$0x0];
	v9 =	vmul.f32 $1.442695020e+00, v9;
	(erf) = vpow2.f32 v15;
	v1 =	vadd.f32 v14, v1;
	v14 =	vpop (erf)  }
0xd4: {  	v15 =	vld [tilespmem:s15+$0x10];
	v10 =	vmul.f32 $1.442695020e+00, v10;
	(erf) = vpow2.f32 v8;
	v2 =	vadd.f32 v14, v2;
	v14 =	vpop (erf)  }
.Ltmp4:
0xd5: {  	v8 =	vld [tilespmem:s15+$0x20];
	v11 =	vmul.f32 $1.442695020e+00, v11;
	(erf) = vpow2.f32 v9;
	v3 =	vadd.f32 v14, v3;
	v14 =	vpop (erf);
	(pc) =	sbr.rel @p1 .LBB2_6-.Ltmp4, $4  }
0xd6: {  	v9 =	vld [tilespmem:s15+$0x30];
	v12 =	vmul.f32 $1.442695020e+00, v12;
	(erf) = vpow2.f32 v10;
	v4 =	vadd.f32 v14, v4;
	v14 =	vpop (erf)  }
0xd7: {  	v10 =	vld [tilespmem:s15+$0x40];
	v16 =	vmul.f32 $1.442695020e+00, v16;
	(erf) = vpow2.f32 v11;
	v5 =	vadd.f32 v14, v5;
	v17 =	vpop (erf)  }
0xd8: {  	v14 =	vmul.f32 $1.442695020e+00, v13;
	v11 =	vld [tilespmem:s15+$0x50];
	(erf) = vpow2.f32 v12;
	v6 =	vadd.f32 v17, v6;
	v13 =	vpop (erf)  }
0xd9: {  	v15 =	vmul.f32 $1.442695020e+00, v15;
	v12 =	vld [tilespmem:s15+$0x60];
	s15 =	sshra.s32 s16, $0x2;
	s16 =	sadd.s32 $0x200, s16;
	(erf) = vpow2.f32 v16;
	v7 =	vadd.f32 v13, v7;
	v13 =	vpop (erf)  }
0xda: {  	v8 =	vmul.f32 $1.442695020e+00, v8;
	_ =	sdelay $0x1  }
0xdb: {  	v16 =	vld [tilespmem:s15+$0x70];
	(erf) = vpow2.f32 v14;
	v43 =	vpop (erf)  }
0xdc: {  	v17 =	vld [tilespmem:s15+$0x0];
	v9 =	vmul.f32 $1.442695020e+00, v9;
	(erf) = vpow2.f32 v15;
	v44 =	vpop (erf)  }
0xdd: {  	v18 =	vld [tilespmem:s15+$0x10];
	v10 =	vmul.f32 $1.442695020e+00, v10;
	(erf) = vpow2.f32 v8;
	v8 =	vpop (erf)  }
0xde: {  	v19 =	vld [tilespmem:s15+$0x20];
	v11 =	vmul.f32 $1.442695020e+00, v11;
	(erf) = vpow2.f32 v9;
	v45 =	vpop (erf)  }
0xdf: {  	v20 =	vld [tilespmem:s15+$0x30];
	v12 =	vmul.f32 $1.442695020e+00, v12;
	(erf) = vpow2.f32 v10;
	v46 =	vpop (erf)  }
0xe0: {  	v21 =	vld [tilespmem:s15+$0x40];
	v16 =	vmul.f32 $1.442695020e+00, v16;
	(erf) = vpow2.f32 v11;
	v47 =	vpop (erf)  }
0xe1: {  	v22 =	vld [tilespmem:s15+$0x50];
	v17 =	vmul.f32 $1.442695020e+00, v17;
	(erf) = vpow2.f32 v12;
	v48 =	vpop (erf)  }
0xe2: {  	v23 =	vld [tilespmem:s15+$0x60];
	v18 =	vmul.f32 $1.442695020e+00, v18;
	(erf) = vpow2.f32 v16;
	v49 =	vpop (erf)  }
0xe3: {  	v19 =	vmul.f32 $1.442695020e+00, v19;
	(erf) = vpow2.f32 v17;
	v50 =	vpop (erf)  }
0xe4: {  	v20 =	vmul.f32 $1.442695020e+00, v20;
	(erf) = vpow2.f32 v18;
	v51 =	vpop (erf)  }
0xe5: {  	v21 =	vmul.f32 $1.442695020e+00, v21;
	(erf) = vpow2.f32 v19;
	v52 =	vpop (erf)  }
0xe6: {  	v22 =	vmul.f32 $1.442695020e+00, v22;
	(erf) = vpow2.f32 v20;
	v53 =	vpop (erf)  }
0xe7: {  	v54 =	vmul.f32 $1.442695020e+00, v23;
	(erf) = vpow2.f32 v21;
	v55 =	vpop (erf)  }
0xe8: {  	v0 =	vadd.f32 v13, v0;
	(erf) = vpow2.f32 v22;
	v56 =	vpop (erf)  }
0xe9: {  	v1 =	vadd.f32 v43, v1;
	v3 =	vadd.f32 v8, v3;
	(erf) = vpow2.f32 v54;
	v8 =	vpop (erf)  }
0xea: {  	v2 =	vadd.f32 v44, v2;
	v4 =	vadd.f32 v45, v4;
	v57 =	vpop (erf)  }
0xeb: {  	v5 =	vadd.f32 v46, v5;
	v6 =	vadd.f32 v47, v6;
	v58 =	vpop (erf)  }
0xec: {  	v7 =	vadd.f32 v48, v7;
	v0 =	vadd.f32 v49, v0;
	v59 =	vpop (erf)  }
0xed: {  	v1 =	vadd.f32 v50, v1;
	v2 =	vadd.f32 v51, v2;
	v60 =	vpop (erf)  }
0xee: {  	v3 =	vadd.f32 v52, v3;
	v4 =	vadd.f32 v53, v4;
	v61 =	vpop (erf)  }
0xef: {  	v5 =	vadd.f32 v55, v5;
	v7 =	vadd.f32 v8, v7;
	v8 =	vpop (erf)  }
.Ltmp5:
0xf0: {  	v6 =	vadd.f32 v56, v6;
	v0 =	vadd.f32 v57, v0;
	v62 =	vpop (erf);
	(pc) =	sbr.rel @p0 .LBB2_11-.Ltmp5, $4  }
0xf1: {  	v1 =	vadd.f32 v58, v1;
	v2 =	vadd.f32 v59, v2;
	v63 =	vpop (erf)  }
0xf2: {  	v3 =	vadd.f32 v60, v3;
	v5 =	vadd.f32 v8, v5;
	v8 =	vpop (erf)  }
0xf3: {  	v4 =	vadd.f32 v61, v4;
	v0 =	vadd.f32 v8, v0  }
0xf4: {  	v6 =	vadd.f32 v62, v6;
	v7 =	vadd.f32 v63, v7  }
0xf5: {  	_ =	swait.ge [sflag:s11], $0xC800  }
0xf6: {  	[sflag:s11] =	ssyncset.done $0x0  }
0xf7: {  	s15 =	simm.s32 $0x0;
	[sflag:s11] =	ssyncadd.s32 $0xFFFF3800  }
0xf8: {  	v8 =	vld [tilespmem:s15+$0xC870]  }
0xf9: {  	v9 =	vld [tilespmem:s15+$0xC800]  }
0xfa: {  	v10 =	vld [tilespmem:s15+$0xC810]  }
0xfb: {  	v11 =	vld [tilespmem:s15+$0xC820]  }
0xfc: {  	v12 =	vld [tilespmem:s15+$0xC830]  }
0xfd: {  	v13 =	vld [tilespmem:s15+$0xC840]  }
0xfe: {  	v14 =	vld [tilespmem:s15+$0xC850];
	v8 =	vmul.f32 $1.442695020e+00, v8  }
0xff: {  	s17 =	simm.s32 $0x100;
	v15 =	vld [tilespmem:s15+$0xC860];
	v9 =	vmul.f32 $1.442695020e+00, v9  }
0x100: {  	s16 =	simm.s32 $0x80;
	v16 =	vld [tilespmem:s17+$0xC870];
	v10 =	vmul.f32 $1.442695020e+00, v10;
	(erf) = vpow2.f32 v8  }
0x101: {  	v11 =	vmul.f32 $1.442695020e+00, v11;
	(erf) = vpow2.f32 v9;
	v9 =	vld [tilespmem:s16+$0xC800]  }
0x102: {  	v12 =	vmul.f32 $1.442695020e+00, v12;
	v8 =	vld [tilespmem:s16+$0xC870];
	(erf) = vpow2.f32 v10  }
0x103: {  	v13 =	vmul.f32 $1.442695020e+00, v13;
	v10 =	vld [tilespmem:s16+$0xC810];
	(erf) = vpow2.f32 v11  }
0x104: {  	v14 =	vmul.f32 $1.442695020e+00, v14;
	(erf) = vpow2.f32 v12;
	v12 =	vld [tilespmem:s16+$0xC830]  }
0x105: {  	v15 =	vmul.f32 $1.442695020e+00, v15;
	v16 =	vmul.f32 $1.442695020e+00, v16;
	v11 =	vld [tilespmem:s16+$0xC820]  }
0x106: {  	(erf) = vpow2.f32 v13;
	v13 =	vld [tilespmem:s16+$0xC840];
	v9 =	vmul.f32 $1.442695020e+00, v9  }
0x107: {  	v8 =	vmul.f32 $1.442695020e+00, v8;
	(erf) = vpow2.f32 v14;
	v14 =	vld [tilespmem:s16+$0xC850]  }
0x108: {  	(erf) = vpow2.f32 v15;
	v10 =	vmul.f32 $1.442695020e+00, v10;
	v15 =	vld [tilespmem:s16+$0xC860]  }
0x109: {  	(erf) = vpow2.f32 v8;
	v12 =	vmul.f32 $1.442695020e+00, v12  }
0x10a: {  	v8 =	vmul.f32 $1.442695020e+00, v11;
	v11 =	vld [tilespmem:s17+$0xC800];
	(erf) = vpow2.f32 v9;
	v9 =	vpop (erf)  }
0x10b: {  	v17 =	vld [tilespmem:s17+$0xC810];
	(erf) = vpow2.f32 v10;
	v10 =	vmul.f32 $1.442695020e+00, v13;
	v1 =	vadd.f32 v9, v1;
	v9 =	vpop (erf)  }
0x10c: {  	(erf) = vpow2.f32 v8;
	v13 =	vmul.f32 $1.442695020e+00, v14;
	v2 =	vadd.f32 v9, v2;
	v9 =	vpop (erf)  }
0x10d: {  	v8 =	vld [tilespmem:s17+$0xC820];
	(erf) = vpow2.f32 v12;
	v15 =	vmul.f32 $1.442695020e+00, v15;
	v12 =	vpop (erf)  }
0x10e: {  	v3 =	vadd.f32 v9, v3;
	v9 =	vld [tilespmem:s17+$0xC830];
	(erf) = vpow2.f32 v10;
	v4 =	vadd.f32 v12, v4;
	v12 =	vpop (erf)  }
0x10f: {  	v10 =	vld [tilespmem:s17+$0xC840];
	v14 =	vmul.f32 $1.442695020e+00, v11;
	(erf) = vpow2.f32 v13;
	v5 =	vadd.f32 v12, v5;
	v12 =	vpop (erf)  }
0x110: {  	v11 =	vld [tilespmem:s17+$0xC850];
	(erf) = vpow2.f32 v15;
	v15 =	vmul.f32 $1.442695020e+00, v17;
	v13 =	vpop (erf)  }
0x111: {  	s15 =	simm.s32 $0x180;
	s16 =	simm.s32 $0x800;
	v6 =	vadd.f32 v12, v6;
	v12 =	vld [tilespmem:s17+$0xC860];
	(erf) = vpow2.f32 v16;
	v7 =	vadd.f32 v13, v7;
	v13 =	vpop (erf)  }
.LBB2_9:
0x112: {  	p1 =	sne.s32 s16, $0x31E00;
	v16 =	vld [tilespmem:s15+$0xC870];
	v8 =	vmul.f32 $1.442695020e+00, v8;
	(erf) = vpow2.f32 v14;
	v14 =	vpop (erf);
	v0 =	vadd.f32 v13, v0  }
0x113: {  	v9 =	vmul.f32 $1.442695020e+00, v9;
	v13 =	vld [tilespmem:s15+$0xC800];
	(erf) = vpow2.f32 v15;
	v1 =	vadd.f32 v14, v1;
	v14 =	vpop (erf)  }
0x114: {  	v10 =	vmul.f32 $1.442695020e+00, v10;
	v15 =	vld [tilespmem:s15+$0xC810];
	(erf) = vpow2.f32 v8;
	v2 =	vadd.f32 v14, v2;
	v14 =	vpop (erf)  }
.Ltmp6:
0x115: {  	v11 =	vmul.f32 $1.442695020e+00, v11;
	v8 =	vld [tilespmem:s15+$0xC820];
	(erf) = vpow2.f32 v9;
	v3 =	vadd.f32 v14, v3;
	v14 =	vpop (erf);
	(pc) =	sbr.rel @p1 .LBB2_9-.Ltmp6, $4  }
0x116: {  	v12 =	vmul.f32 $1.442695020e+00, v12;
	v9 =	vld [tilespmem:s15+$0xC830];
	(erf) = vpow2.f32 v10;
	v4 =	vadd.f32 v14, v4;
	v14 =	vpop (erf)  }
0x117: {  	v10 =	vld [tilespmem:s15+$0xC840];
	v16 =	vmul.f32 $1.442695020e+00, v16;
	(erf) = vpow2.f32 v11;
	v5 =	vadd.f32 v14, v5;
	v17 =	vpop (erf)  }
0x118: {  	v14 =	vmul.f32 $1.442695020e+00, v13;
	v11 =	vld [tilespmem:s15+$0xC850];
	(erf) = vpow2.f32 v12;
	v6 =	vadd.f32 v17, v6;
	v13 =	vpop (erf)  }
0x119: {  	v15 =	vmul.f32 $1.442695020e+00, v15;
	v12 =	vld [tilespmem:s15+$0xC860];
	s15 =	sshra.s32 s16, $0x2;
	s16 =	sadd.s32 $0x200, s16;
	(erf) = vpow2.f32 v16;
	v7 =	vadd.f32 v13, v7;
	v13 =	vpop (erf)  }
.Ltmp7:
0x11a: {  	_ = 	snop;
	(pc) =	sbr.rel .LBB2_10-.Ltmp7, $1  }
0x11b: {  	_ =	sdelay $0x3  }
.LBB2_12:
0x11c: {  	_ =	sfence.sel $0x180000  }
0x11d: {  	[bflag:$0x0] =	sbarrier.arrive $0xFFFF  }
0x11e: {  	p0 =	sne.s32 s0, $0x0;
	_ =	strace $0x90000047  }
0x11f: {  	s0 =	sadd.s32 @!p0 $0x100000, s1;
	[bflag:$0x2] =	sbarrier.arrive $0xFFFF  }
0x120: {  	[sflag:s0] =	ssyncadd.tile.s32 @!p0 $0x1;
	_ =	shalt  }
.Lfunc_end2:
_tile_overlayer_lowered:
.L_overlay_start_2:
0x121: {  	(tag) =	ssettag $0x2  }
0x122: {  	s0 =	rddreg [dreg:$0x0];
	s2 =	stileid.u32  }
0x123: {  	s1 =	rddreg [dreg:$0x1];
	p0 =	sne.s32 s2, $0x0  }
0x124: {  	s3 =	rddreg [dreg:$0x2];
	[bflag:$0x3] =	sbarrier.arrive $0xFFFF;
	s2 =	simm.s32 @!p0 $0x1C03  }
0x125: {  	[timem:s3], [sflag:s2] =	dma.local @!p0 [hbm:s0], s1  }
0x126: {  	s0 =	simm.s32 @!p0 $0x3  }
0x127: {  	_ =	swait.ge @!p0 [sflag:s0], s1  }
0x128: {  	s1 =	ssub.s32 @!p0 $0x0, s1;
	[sflag:s0] =	ssyncset.done @!p0 $0x0  }
0x129: {  	[sflag:s0] =	ssyncadd.s32 @!p0 s1  }
0x12a: {  	[bflag:$0x3] =	sbarrier.arrive $0xFFFF  }
0x12b: {  	_ =	shalt  }

</sc_bundles>
